<compile_context>
chip_gen: v7x
topology: tpu7x:2x2x1
jax: 0.10.2.dev20260603
libtpu: 0.0.44.dev20260713+nightly
codegen_flags: <defaults>
</compile_context>

<pallas_src>
import functools
import jax
import jax.numpy as jnp
from jax import lax
from jax.experimental import pallas as pl
from jax.experimental.pallas import tpu as pltpu
from jax.experimental.pallas import tpu_sc as plsc

_D = 768
_N = 200
_TH = 0.5
_NEG = -1e30
_NPAD = 224
_HALF = 112


def _leaky(x):
    return jnp.where(x > 0, x, 0.2 * x)




def _sc_label_body(rr_hbm, labs_hbm, table_hbm, out_hbm,
                   rr_full, rr_half, idx_v, w_half, rows_v, acc_v, sem):
    h = lax.axis_index("c")
    b = lax.axis_index("s")

    pltpu.sync_copy(rr_hbm.at[pl.ds(b * _NPAD, _NPAD)], rr_full)
    tot = jnp.zeros((16,), jnp.float32)
    mx = jnp.zeros((16,), jnp.float32)
    for j in range(_NPAD // 16):
        v = rr_full[pl.ds(j * 16, 16)]
        rz = jnp.where(v < _TH, 0.0, v)
        tot = tot + rz
        mx = jnp.maximum(mx, rz)
    acc_v[pl.ds(0, 16)] = tot
    acc_v[pl.ds(16, 16)] = mx
    total = jnp.zeros((16,), jnp.float32)
    mxs = jnp.zeros((16,), jnp.float32)
    for l in range(16):
        total = total + plsc.load_gather(acc_v, [jnp.full((16,), l, jnp.int32)])
        mxs = jnp.maximum(mxs, plsc.load_gather(acc_v, [jnp.full((16,), 16 + l, jnp.int32)]))
    zero = mxs == 0.0
    inv = 1.0 / (jnp.where(zero, 1.0, total) + 1e-6)

    pltpu.sync_copy(rr_hbm.at[pl.ds(b * _NPAD + h * _HALF, _HALF)], rr_half)
    first = (h == 0) & zero
    for j in range(_HALF // 16):
        v = rr_half[pl.ds(j * 16, 16)]
        wv = jnp.where(v < _TH, 0.0, v) * inv
        if j == 0:
            lane0 = lax.iota(jnp.int32, 16) == 0
            wv = jnp.where(lane0 & first, inv, wv)
        w_half[pl.ds(j * 16, 16)] = wv

    pltpu.sync_copy(labs_hbm.at[pl.ds(b * _NPAD + h * _HALF, _HALF)], idx_v)
    pltpu.async_copy(table_hbm.at[idx_v], rows_v, sem).wait()

    for dh in range(2):
        base = dh * 384
        init = tuple(jnp.zeros((16,), jnp.float32) for _ in range(24))

        def jbody(j, accs, base=base):
            ws = plsc.load_gather(w_half, [jnp.full((16,), j, jnp.int32)])
            return tuple(a + ws * rows_v[j, pl.ds(base + k * 16, 16)]
                         for k, a in enumerate(accs))

        accs = lax.fori_loop(0, _HALF, jbody, init)
        for k in range(24):
            acc_v[pl.ds(base + k * 16, 16)] = accs[k]

    pltpu.sync_copy(acc_v, out_hbm.at[pl.ds((h * 16 + b) * _D, _D)])


def _sc_label_partials(rr_pad, labs_pad, label_table):
    mesh = plsc.VectorSubcoreMesh(core_axis_name="c", subcore_axis_name="s")
    f = functools.partial(
        pl.kernel,
        mesh=mesh,
        compiler_params=pltpu.CompilerParams(needs_layout_passes=False),
        out_type=jax.ShapeDtypeStruct((2 * 16 * _D,), jnp.float32),
        scratch_types=[
            pltpu.VMEM((_NPAD,), jnp.float32),
            pltpu.VMEM((_HALF,), jnp.float32),
            pltpu.VMEM((_HALF,), jnp.int32),
            pltpu.VMEM((_HALF,), jnp.float32),
            pltpu.VMEM((_HALF, _D), jnp.float32),
            pltpu.VMEM((_D,), jnp.float32),
            pltpu.SemaphoreType.DMA,
        ],
    )(_sc_label_body)
    return f(rr_pad, labs_pad, label_table)




def _gat_query_row(q, X, Wm, a_pair, phantom, valid_b):
    wa1 = jnp.sum(Wm * a_pair[0:1, :], axis=1)
    wa2 = jnp.sum(Wm * a_pair[1:2, :], axis=1)
    f0 = jnp.sum(q * wa1[None, :], axis=1, keepdims=True)
    gq = jnp.sum(q * wa2[None, :], axis=1, keepdims=True)
    g = jnp.sum(X * wa2[None, None, :], axis=2)
    e_q = _leaky(f0 + gq)
    e_n = _leaky(f0 + g)
    e_ph = _leaky(f0)
    e_n_m = jnp.where(valid_b, e_n, _NEG)
    m = jnp.maximum(jnp.max(e_n_m, axis=1, keepdims=True), e_q)
    m = jnp.maximum(m, jnp.where(phantom > 0, e_ph, _NEG))
    p_q = jnp.exp(e_q - m)
    p_n = jnp.where(valid_b, jnp.exp(e_n - m), 0.0)
    s = p_q + jnp.sum(p_n, axis=1, keepdims=True) + phantom * jnp.exp(e_ph - m)
    hagg = (p_q * q + jnp.sum(p_n[:, :, None] * X, axis=1)) / s
    return 0.5 * q + 0.5 * jnp.dot(hagg, Wm, preferred_element_type=jnp.float32)


def _tc_body(qt_ref, qi_ref, vis_ref, txt_ref, rr_ref,
             Wt_ref, at_ref, Wi_ref, ai_ref, Wo12_ref, bo_ref, out_ref):
    rr = rr_ref[...]
    B = rr.shape[0]
    valid_b = rr > _TH
    nvalid = jnp.sum(valid_b.astype(jnp.float32), axis=1, keepdims=True)
    is_last = lax.broadcasted_iota(jnp.int32, (B, 1), 0) == (B - 1)
    phantom = jnp.where(is_last, 0.0, _N - nvalid)

    ht0 = _gat_query_row(qt_ref[...], vis_ref[...], Wt_ref[...], at_ref[...],
                         jnp.zeros((B, 1), jnp.float32), valid_b)
    hi0 = _gat_query_row(qi_ref[...], txt_ref[...], Wi_ref[...], ai_ref[...],
                         phantom, valid_b)

    fused = jnp.concatenate([ht0, hi0], axis=1)
    out_ref[...] = jnp.dot(fused, Wo12_ref[...], preferred_element_type=jnp.float32) + bo_ref[...]


def _combine_body(p12_ref, part_ref, Wo3_ref, out_ref):
    la = part_ref[0, :, :] + part_ref[1, :, :]
    out_ref[...] = p12_ref[...] + jnp.dot(la, Wo3_ref[...],
                                          preferred_element_type=jnp.float32)




def kernel(mean_pooling_vec, merge_text_vec, retrieved_visual_feature_embedding_cls,
           retrieved_textual_feature_embedding, retrieved_label_list, RRCP,
           W_text, a_text, W_img, a_img, label_table, W_out, b_out):
    B = mean_pooling_vec.shape[0]
    vis = retrieved_visual_feature_embedding_cls[:, :_N, 0, :]
    txt = retrieved_textual_feature_embedding[:, :_N, 0, :]
    rr = RRCP[:, :_N]
    pad = jnp.zeros((B, _NPAD - _N), jnp.float32)
    rr_pad = jnp.concatenate([rr, pad], axis=1)
    labs_pad = jnp.concatenate([retrieved_label_list[:, :_N],
                                pad.astype(jnp.int32)], axis=1)

    partials = _sc_label_partials(rr_pad.reshape(-1), labs_pad.reshape(-1),
                                  label_table).reshape(2, 16, _D)

    p12 = pl.pallas_call(
        _tc_body,
        out_shape=jax.ShapeDtypeStruct((B, 2), jnp.float32),
    )(mean_pooling_vec, merge_text_vec, vis, txt, rr,
      W_text, a_text.reshape(2, _D), W_img, a_img.reshape(2, _D),
      W_out[:2 * _D], b_out.reshape(1, 2))

    return pl.pallas_call(
        _combine_body,
        out_shape=jax.ShapeDtypeStruct((B, 2), jnp.float32),
    )(p12, partials, W_out[2 * _D:])

# --- scband reference (transcript-rebuilt; emitter-appended) ---
"""Pipeline reference for scband-rrcp-prediction-54949811585479 (READ-ONLY COPY).

The authoritative reference and input builder live on the scoring server;
editing this copy changes nothing except your own understanding.
"""

import jax, jax.numpy as jnp
import numpy as np

RETRIEVAL_NUM = 200
THRESHOLD = 0.5
ALPHA = 0.5
D = 768
NUM_LABELS = 1000
NUM_CLASSES = 2
B = 16
N_IN = 220


def setup_inputs(seed: int = 0):
    key = jax.random.key(seed)
    ks = jax.random.split(key, 13)
    return {
        "mean_pooling_vec": jax.random.normal(ks[0], (B, D), jnp.float32),
        "merge_text_vec": jax.random.normal(ks[1], (B, D), jnp.float32),
        "retrieved_visual_feature_embedding_cls": jax.random.normal(ks[2], (B, N_IN, 1, D), jnp.float32),
        "retrieved_textual_feature_embedding": jax.random.normal(ks[3], (B, N_IN, 1, D), jnp.float32),
        "retrieved_label_list": jax.random.randint(ks[4], (B, N_IN), 0, NUM_LABELS, jnp.int32),
        "RRCP": jax.random.uniform(ks[5], (B, N_IN), dtype=jnp.float32),
        "W_text": jax.random.normal(ks[6], (D, D), jnp.float32) * 0.02,
        "a_text": jax.random.normal(ks[7], (2 * D,), jnp.float32) * 0.02,
        "W_img": jax.random.normal(ks[8], (D, D), jnp.float32) * 0.02,
        "a_img": jax.random.normal(ks[9], (2 * D,), jnp.float32) * 0.02,
        "label_table": jax.random.normal(ks[10], (NUM_LABELS, D), jnp.float32) * 0.02,
        "W_out": jax.random.normal(ks[11], (3 * D, NUM_CLASSES), jnp.float32) * 0.02,
        "b_out": jnp.zeros((NUM_CLASSES,), jnp.float32),
    }


def _leaky(x):
    return jnp.where(x > 0, x, 0.2 * x)


def _gat_layer(h, mask, W, a):
    # GAT-style attention over (query + retrieved) nodes, alpha-blended residual
    Wh = h @ W                      # [B, M, D]
    f = Wh @ a[:D]                  # [B, M]
    g = Wh @ a[D:]                  # [B, M]
    e = _leaky(f[:, :, None] + g[:, None, :])   # [B, M, M]
    e = jnp.where(mask[:, None, :] > 0, e, -1e9)
    att = jax.nn.softmax(e, axis=-1)
    agg = jnp.einsum('bij,bjd->bid', att, Wh)
    return ALPHA * h + (1.0 - ALPHA) * agg


def _preprocess(base_text, base_img, rr_bin):
    # compact valid (rr_bin==1) nodes to the front, zero-pad the rest;
    # vectorized equivalent of the original per-sample python loop
    Bn, N, d = base_text.shape
    valid = rr_bin.sum(axis=1)                        # [B]
    order = jnp.argsort(-rr_bin, axis=1)              # stable: valid indices first, in order
    keep = (jnp.arange(N)[None, :] < valid[:, None]).astype(base_text.dtype)
    tp = jnp.take_along_axis(base_text, order[:, :, None], axis=1) * keep[:, :, None]
    ip = jnp.take_along_axis(base_img, order[:, :, None], axis=1) * keep[:, :, None]
    text_mask = (jnp.arange(N + 1)[None, :] <= valid[:, None]).astype(jnp.float32)
    # original code only updates img_mask for the LAST batch element (indentation bug) - replicated
    img_mask = jnp.ones((Bn, N + 1), jnp.float32)
    img_mask = img_mask.at[Bn - 1].set((jnp.arange(N + 1) <= valid[Bn - 1]).astype(jnp.float32))
    return tp, ip, text_mask, img_mask


def _forward(mean_pooling_vec, merge_text_vec, vis4, txt4, labels_full, RRCP,
             W_text, a_text, W_img, a_img, label_table, W_out, b_out):
    vis = jnp.squeeze(vis4, axis=2)[:, :RETRIEVAL_NUM, :]
    txt = jnp.squeeze(txt4, axis=2)[:, :RETRIEVAL_NUM, :]
    labels = labels_full[:, :RETRIEVAL_NUM]
    rr = RRCP[:, :RETRIEVAL_NUM]
    rr_bin = (rr > THRESHOLD).astype(jnp.int32)
    rr = jnp.where(rr < THRESHOLD, 0.0, rr)
    zero_rows = jnp.all(rr == 0, axis=1)
    rr = rr.at[:, 0].set(jnp.where(zero_rows, 1.0, rr[:, 0]))
    # preprocess_data(vis, txt, mean_pooling_vec, merge_text_vec, rr_bin)
    proc_a, proc_b, text_mask, img_mask = _preprocess(vis, txt, rr_bin)
    # original code swaps names on return: new retrieved_textual = processed(vis),
    # new retrieved_visual = processed(txt), and mean/merge vectors are swapped
    txt_nodes = proc_a
    img_nodes = proc_b
    q_img = merge_text_vec      # becomes mean_pooling_vec after swap
    q_text = mean_pooling_vec   # becomes merge_text_vec after swap
    h_text = jnp.concatenate([q_text[:, None, :], txt_nodes], axis=1)  # [B, N+1, D]
    h_img = jnp.concatenate([q_img[:, None, :], img_nodes], axis=1)
    ht = _gat_layer(h_text, text_mask, W_text, a_text)
    hi = _gat_layer(h_img, img_mask, W_img, a_img)
    lab_emb = jnp.take(label_table, labels, axis=0)                    # [B, N, D] gather
    w = rr / (jnp.sum(rr, axis=1, keepdims=True) + 1e-6)
    label_agg = jnp.sum(w[:, :, None] * lab_emb, axis=1)               # [B, D]
    fused = jnp.concatenate([ht[:, 0], hi[:, 0], label_agg], axis=-1)  # [B, 3D]
    return fused @ W_out + b_out                                       # [B, NUM_CLASSES]


def reference(mean_pooling_vec, merge_text_vec, retrieved_visual_feature_embedding_cls,
              retrieved_textual_feature_embedding, retrieved_label_list, RRCP,
              W_text, a_text, W_img, a_img, label_table, W_out, b_out):
    return _forward(mean_pooling_vec, merge_text_vec, retrieved_visual_feature_embedding_cls,
                    retrieved_textual_feature_embedding, retrieved_label_list, RRCP,
                    W_text, a_text, W_img, a_img, label_table, W_out, b_out)

if __name__ == "__main__":
    import jax
    _d = setup_inputs()
    print(jax.jit(kernel)(*tuple(_d.values())))

</pallas_src>

<mosaic_0001>
#map = affine_map<(d0, d1) -> (0)>
#map1 = affine_map<(d0, d1) -> (0, 0)>
module attributes {stable_mosaic.version = 14 : i64} {
  func.func @_sc_label_body(%arg0: i32, %arg1: i32, %arg2: memref<3584xf32, #tpu.memory_space<hbm>>, %arg3: memref<3584xi32, #tpu.memory_space<hbm>>, %arg4: memref<1000x768xf32, #tpu.memory_space<hbm>>, %arg5: memref<24576xf32, #tpu.memory_space<hbm>>, %arg6: memref<224xf32, #tpu.memory_space<vmem>>, %arg7: memref<112xf32, #tpu.memory_space<vmem>>, %arg8: memref<112xi32, #tpu.memory_space<vmem>>, %arg9: memref<112xf32, #tpu.memory_space<vmem>>, %arg10: memref<112x768xf32, #tpu.memory_space<vmem>>, %arg11: memref<768xf32, #tpu.memory_space<vmem>>, %arg12: memref<!tpu.dma_semaphore, #tpu.memory_space<semaphore_mem>>) attributes {dimension_semantics = [#tpu.dimension_semantics<core_parallel>, #tpu.dimension_semantics<subcore_parallel>], iteration_bounds = array<i64: 2, 16>, scalar_prefetch = 0 : i64, scratch_operands = 7 : i64, tpu.core_type = #tpu.core_type<sc_vector_subcore>, window_params = [{transform_indices = #map}, {transform_indices = #map}, {transform_indices = #map1}, {transform_indices = #map}]} {
    %mul3A = arith.constant 224 : i32
    %mul3A_0 = arith.muli %arg1, %mul3A : i32
    "tpu.region"() ({
      %run_scoped3A = tpu.sem_alloc : memref<!tpu.dma_semaphore, #tpu.memory_space<semaphore_mem>>
      %dma_start3A_589 = tpu.memref_slice %arg2[%mul3A_0] : memref<3584xf32, #tpu.memory_space<hbm>> -> memref<224xf32, #tpu.memory_space<hbm>>
      %dma_start3A_590 = tpu.memref_slice %arg2[%mul3A_0] : memref<3584xf32, #tpu.memory_space<hbm>> -> memref<224xf32, #tpu.memory_space<hbm>>
      tpu.enqueue_dma source(%dma_start3A_590 : memref<224xf32, #tpu.memory_space<hbm>>) target(%arg6 : memref<224xf32, #tpu.memory_space<vmem>>) target_semaphore(%run_scoped3A : memref<!tpu.dma_semaphore, #tpu.memory_space<semaphore_mem>>)
      %dma_wait3A_591 = tpu.memref_slice %arg2[%mul3A_0] : memref<3584xf32, #tpu.memory_space<hbm>> -> memref<224xf32, #tpu.memory_space<hbm>>
      %dma_wait3A_592 = tpu.memref_slice %arg2[%mul3A_0] : memref<3584xf32, #tpu.memory_space<hbm>> -> memref<224xf32, #tpu.memory_space<hbm>>
      tpu.wait_dma2 semaphore(%run_scoped3A : memref<!tpu.dma_semaphore, #tpu.memory_space<semaphore_mem>>) src(%dma_wait3A_592 : memref<224xf32, #tpu.memory_space<hbm>>) dst(%arg6 : memref<224xf32, #tpu.memory_space<vmem>>)
      tpu.yield
    }) : () -> ()
    %broadcast_in_dim3A = arith.constant 0.000000e+00 : f32
    %broadcast_in_dim3A_1 = vector.broadcast %broadcast_in_dim3A : f32 to vector<16xf32>
    %broadcast_in_dim3A_2 = arith.constant 0.000000e+00 : f32
    %broadcast_in_dim3A_3 = vector.broadcast %broadcast_in_dim3A_2 : f32 to vector<16xf32>
    %get3A = arith.constant 0 : index
    %get3A_4 = tpu.vector_load %arg6[%get3A] {strides = array<i32>} : memref<224xf32, #tpu.memory_space<vmem>>, vector<16xf32>,
    %lt3A = arith.constant 5.000000e-01 : f32
    %lt3A_5 = vector.broadcast %lt3A : f32 to vector<16xf32>
    %lt3A_6 = arith.cmpf olt, %get3A_4, %lt3A_5 : vector<16xf32>
    %jit3A = arith.constant 0.000000e+00 : f32
    %broadcast_in_dim3A_7 = vector.broadcast %jit3A : f32 to vector<16xf32>
    %select_n3A = arith.select %lt3A_6, %broadcast_in_dim3A_7, %get3A_4 : vector<16xi1>, vector<16xf32>
    %add3A = arith.addf %broadcast_in_dim3A_1, %select_n3A : vector<16xf32>
    %max3A = arith.maximumf %broadcast_in_dim3A_3, %select_n3A : vector<16xf32>
    %get3A_8 = arith.constant 16 : index
    %get3A_9 = tpu.vector_load %arg6[%get3A_8] {strides = array<i32>} : memref<224xf32, #tpu.memory_space<vmem>>, vector<16xf32>,
    %lt3A_10 = arith.constant 5.000000e-01 : f32
    %lt3A_11 = vector.broadcast %lt3A_10 : f32 to vector<16xf32>
    %lt3A_12 = arith.cmpf olt, %get3A_9, %lt3A_11 : vector<16xf32>
    %jit3A_13 = arith.constant 0.000000e+00 : f32
    %broadcast_in_dim3A_14 = vector.broadcast %jit3A_13 : f32 to vector<16xf32>
    %select_n3A_15 = arith.select %lt3A_12, %broadcast_in_dim3A_14, %get3A_9 : vector<16xi1>, vector<16xf32>
    %add3A_16 = arith.addf %add3A, %select_n3A_15 : vector<16xf32>
    %max3A_17 = arith.maximumf %max3A, %select_n3A_15 : vector<16xf32>
    %get3A_18 = arith.constant 32 : index
    %get3A_19 = tpu.vector_load %arg6[%get3A_18] {strides = array<i32>} : memref<224xf32, #tpu.memory_space<vmem>>, vector<16xf32>,
    %lt3A_20 = arith.constant 5.000000e-01 : f32
    %lt3A_21 = vector.broadcast %lt3A_20 : f32 to vector<16xf32>
    %lt3A_22 = arith.cmpf olt, %get3A_19, %lt3A_21 : vector<16xf32>
    %jit3A_23 = arith.constant 0.000000e+00 : f32
    %broadcast_in_dim3A_24 = vector.broadcast %jit3A_23 : f32 to vector<16xf32>
    %select_n3A_25 = arith.select %lt3A_22, %broadcast_in_dim3A_24, %get3A_19 : vector<16xi1>, vector<16xf32>
    %add3A_26 = arith.addf %add3A_16, %select_n3A_25 : vector<16xf32>
    %max3A_27 = arith.maximumf %max3A_17, %select_n3A_25 : vector<16xf32>
    %get3A_28 = arith.constant 48 : index
    %get3A_29 = tpu.vector_load %arg6[%get3A_28] {strides = array<i32>} : memref<224xf32, #tpu.memory_space<vmem>>, vector<16xf32>,
    %lt3A_30 = arith.constant 5.000000e-01 : f32
    %lt3A_31 = vector.broadcast %lt3A_30 : f32 to vector<16xf32>
    %lt3A_32 = arith.cmpf olt, %get3A_29, %lt3A_31 : vector<16xf32>
    %jit3A_33 = arith.constant 0.000000e+00 : f32
    %broadcast_in_dim3A_34 = vector.broadcast %jit3A_33 : f32 to vector<16xf32>
    %select_n3A_35 = arith.select %lt3A_32, %broadcast_in_dim3A_34, %get3A_29 : vector<16xi1>, vector<16xf32>
    %add3A_36 = arith.addf %add3A_26, %select_n3A_35 : vector<16xf32>
    %max3A_37 = arith.maximumf %max3A_27, %select_n3A_35 : vector<16xf32>
    %get3A_38 = arith.constant 64 : index
    %get3A_39 = tpu.vector_load %arg6[%get3A_38] {strides = array<i32>} : memref<224xf32, #tpu.memory_space<vmem>>, vector<16xf32>,
    %lt3A_40 = arith.constant 5.000000e-01 : f32
    %lt3A_41 = vector.broadcast %lt3A_40 : f32 to vector<16xf32>
    %lt3A_42 = arith.cmpf olt, %get3A_39, %lt3A_41 : vector<16xf32>
    %jit3A_43 = arith.constant 0.000000e+00 : f32
    %broadcast_in_dim3A_44 = vector.broadcast %jit3A_43 : f32 to vector<16xf32>
    %select_n3A_45 = arith.select %lt3A_42, %broadcast_in_dim3A_44, %get3A_39 : vector<16xi1>, vector<16xf32>
    %add3A_46 = arith.addf %add3A_36, %select_n3A_45 : vector<16xf32>
    %max3A_47 = arith.maximumf %max3A_37, %select_n3A_45 : vector<16xf32>
    %get3A_48 = arith.constant 80 : index
    %get3A_49 = tpu.vector_load %arg6[%get3A_48] {strides = array<i32>} : memref<224xf32, #tpu.memory_space<vmem>>, vector<16xf32>,
    %lt3A_50 = arith.constant 5.000000e-01 : f32
    %lt3A_51 = vector.broadcast %lt3A_50 : f32 to vector<16xf32>
    %lt3A_52 = arith.cmpf olt, %get3A_49, %lt3A_51 : vector<16xf32>
    %jit3A_53 = arith.constant 0.000000e+00 : f32
    %broadcast_in_dim3A_54 = vector.broadcast %jit3A_53 : f32 to vector<16xf32>
    %select_n3A_55 = arith.select %lt3A_52, %broadcast_in_dim3A_54, %get3A_49 : vector<16xi1>, vector<16xf32>
    %add3A_56 = arith.addf %add3A_46, %select_n3A_55 : vector<16xf32>
    %max3A_57 = arith.maximumf %max3A_47, %select_n3A_55 : vector<16xf32>
    %get3A_58 = arith.constant 96 : index
    %get3A_59 = tpu.vector_load %arg6[%get3A_58] {strides = array<i32>} : memref<224xf32, #tpu.memory_space<vmem>>, vector<16xf32>,
    %lt3A_60 = arith.constant 5.000000e-01 : f32
    %lt3A_61 = vector.broadcast %lt3A_60 : f32 to vector<16xf32>
    %lt3A_62 = arith.cmpf olt, %get3A_59, %lt3A_61 : vector<16xf32>
    %jit3A_63 = arith.constant 0.000000e+00 : f32
    %broadcast_in_dim3A_64 = vector.broadcast %jit3A_63 : f32 to vector<16xf32>
    %select_n3A_65 = arith.select %lt3A_62, %broadcast_in_dim3A_64, %get3A_59 : vector<16xi1>, vector<16xf32>
    %add3A_66 = arith.addf %add3A_56, %select_n3A_65 : vector<16xf32>
    %max3A_67 = arith.maximumf %max3A_57, %select_n3A_65 : vector<16xf32>
    %get3A_68 = arith.constant 112 : index
    %get3A_69 = tpu.vector_load %arg6[%get3A_68] {strides = array<i32>} : memref<224xf32, #tpu.memory_space<vmem>>, vector<16xf32>,
    %lt3A_70 = arith.constant 5.000000e-01 : f32
    %lt3A_71 = vector.broadcast %lt3A_70 : f32 to vector<16xf32>
    %lt3A_72 = arith.cmpf olt, %get3A_69, %lt3A_71 : vector<16xf32>
    %jit3A_73 = arith.constant 0.000000e+00 : f32
    %broadcast_in_dim3A_74 = vector.broadcast %jit3A_73 : f32 to vector<16xf32>
    %select_n3A_75 = arith.select %lt3A_72, %broadcast_in_dim3A_74, %get3A_69 : vector<16xi1>, vector<16xf32>
    %add3A_76 = arith.addf %add3A_66, %select_n3A_75 : vector<16xf32>
    %max3A_77 = arith.maximumf %max3A_67, %select_n3A_75 : vector<16xf32>
    %get3A_78 = arith.constant 128 : index
    %get3A_79 = tpu.vector_load %arg6[%get3A_78] {strides = array<i32>} : memref<224xf32, #tpu.memory_space<vmem>>, vector<16xf32>,
    %lt3A_80 = arith.constant 5.000000e-01 : f32
    %lt3A_81 = vector.broadcast %lt3A_80 : f32 to vector<16xf32>
    %lt3A_82 = arith.cmpf olt, %get3A_79, %lt3A_81 : vector<16xf32>
    %jit3A_83 = arith.constant 0.000000e+00 : f32
    %broadcast_in_dim3A_84 = vector.broadcast %jit3A_83 : f32 to vector<16xf32>
    %select_n3A_85 = arith.select %lt3A_82, %broadcast_in_dim3A_84, %get3A_79 : vector<16xi1>, vector<16xf32>
    %add3A_86 = arith.addf %add3A_76, %select_n3A_85 : vector<16xf32>
    %max3A_87 = arith.maximumf %max3A_77, %select_n3A_85 : vector<16xf32>
    %get3A_88 = arith.constant 144 : index
    %get3A_89 = tpu.vector_load %arg6[%get3A_88] {strides = array<i32>} : memref<224xf32, #tpu.memory_space<vmem>>, vector<16xf32>,
    %lt3A_90 = arith.constant 5.000000e-01 : f32
    %lt3A_91 = vector.broadcast %lt3A_90 : f32 to vector<16xf32>
    %lt3A_92 = arith.cmpf olt, %get3A_89, %lt3A_91 : vector<16xf32>
    %jit3A_93 = arith.constant 0.000000e+00 : f32
    %broadcast_in_dim3A_94 = vector.broadcast %jit3A_93 : f32 to vector<16xf32>
    %select_n3A_95 = arith.select %lt3A_92, %broadcast_in_dim3A_94, %get3A_89 : vector<16xi1>, vector<16xf32>
    %add3A_96 = arith.addf %add3A_86, %select_n3A_95 : vector<16xf32>
    %max3A_97 = arith.maximumf %max3A_87, %select_n3A_95 : vector<16xf32>
    %get3A_98 = arith.constant 160 : index
    %get3A_99 = tpu.vector_load %arg6[%get3A_98] {strides = array<i32>} : memref<224xf32, #tpu.memory_space<vmem>>, vector<16xf32>,
    %lt3A_100 = arith.constant 5.000000e-01 : f32
    %lt3A_101 = vector.broadcast %lt3A_100 : f32 to vector<16xf32>
    %lt3A_102 = arith.cmpf olt, %get3A_99, %lt3A_101 : vector<16xf32>
    %jit3A_103 = arith.constant 0.000000e+00 : f32
    %broadcast_in_dim3A_104 = vector.broadcast %jit3A_103 : f32 to vector<16xf32>
    %select_n3A_105 = arith.select %lt3A_102, %broadcast_in_dim3A_104, %get3A_99 : vector<16xi1>, vector<16xf32>
    %add3A_106 = arith.addf %add3A_96, %select_n3A_105 : vector<16xf32>
    %max3A_107 = arith.maximumf %max3A_97, %select_n3A_105 : vector<16xf32>
    %get3A_108 = arith.constant 176 : index
    %get3A_109 = tpu.vector_load %arg6[%get3A_108] {strides = array<i32>} : memref<224xf32, #tpu.memory_space<vmem>>, vector<16xf32>,
    %lt3A_110 = arith.constant 5.000000e-01 : f32
    %lt3A_111 = vector.broadcast %lt3A_110 : f32 to vector<16xf32>
    %lt3A_112 = arith.cmpf olt, %get3A_109, %lt3A_111 : vector<16xf32>
    %jit3A_113 = arith.constant 0.000000e+00 : f32
    %broadcast_in_dim3A_114 = vector.broadcast %jit3A_113 : f32 to vector<16xf32>
    %select_n3A_115 = arith.select %lt3A_112, %broadcast_in_dim3A_114, %get3A_109 : vector<16xi1>, vector<16xf32>
    %add3A_116 = arith.addf %add3A_106, %select_n3A_115 : vector<16xf32>
    %max3A_117 = arith.maximumf %max3A_107, %select_n3A_115 : vector<16xf32>
    %get3A_118 = arith.constant 192 : index
    %get3A_119 = tpu.vector_load %arg6[%get3A_118] {strides = array<i32>} : memref<224xf32, #tpu.memory_space<vmem>>, vector<16xf32>,
    %lt3A_120 = arith.constant 5.000000e-01 : f32
    %lt3A_121 = vector.broadcast %lt3A_120 : f32 to vector<16xf32>
    %lt3A_122 = arith.cmpf olt, %get3A_119, %lt3A_121 : vector<16xf32>
    %jit3A_123 = arith.constant 0.000000e+00 : f32
    %broadcast_in_dim3A_124 = vector.broadcast %jit3A_123 : f32 to vector<16xf32>
    %select_n3A_125 = arith.select %lt3A_122, %broadcast_in_dim3A_124, %get3A_119 : vector<16xi1>, vector<16xf32>
    %add3A_126 = arith.addf %add3A_116, %select_n3A_125 : vector<16xf32>
    %max3A_127 = arith.maximumf %max3A_117, %select_n3A_125 : vector<16xf32>
    %get3A_128 = arith.constant 208 : index
    %get3A_129 = tpu.vector_load %arg6[%get3A_128] {strides = array<i32>} : memref<224xf32, #tpu.memory_space<vmem>>, vector<16xf32>,
    %lt3A_130 = arith.constant 5.000000e-01 : f32
    %lt3A_131 = vector.broadcast %lt3A_130 : f32 to vector<16xf32>
    %lt3A_132 = arith.cmpf olt, %get3A_129, %lt3A_131 : vector<16xf32>
    %jit3A_133 = arith.constant 0.000000e+00 : f32
    %broadcast_in_dim3A_134 = vector.broadcast %jit3A_133 : f32 to vector<16xf32>
    %select_n3A_135 = arith.select %lt3A_132, %broadcast_in_dim3A_134, %get3A_129 : vector<16xi1>, vector<16xf32>
    %add3A_136 = arith.addf %add3A_126, %select_n3A_135 : vector<16xf32>
    %max3A_137 = arith.maximumf %max3A_127, %select_n3A_135 : vector<16xf32>
    %swap3A = arith.constant 0 : index
    %swap3A_138 = tpu.vector_load %arg11[%swap3A] {strides = array<i32>} : memref<768xf32, #tpu.memory_space<vmem>>, vector<16xf32>,
    tpu.vector_store %arg11[%swap3A], %add3A_136 {strides = array<i32>} : memref<768xf32, #tpu.memory_space<vmem>>, vector<16xf32>,
    %swap3A_139 = arith.constant 16 : index
    %swap3A_140 = tpu.vector_load %arg11[%swap3A_139] {strides = array<i32>} : memref<768xf32, #tpu.memory_space<vmem>>, vector<16xf32>,
    tpu.vector_store %arg11[%swap3A_139], %max3A_137 {strides = array<i32>} : memref<768xf32, #tpu.memory_space<vmem>>, vector<16xf32>,
    %broadcast_in_dim3A_141 = arith.constant 0.000000e+00 : f32
    %broadcast_in_dim3A_142 = vector.broadcast %broadcast_in_dim3A_141 : f32 to vector<16xf32>
    %broadcast_in_dim3A_143 = arith.constant 0.000000e+00 : f32
    %broadcast_in_dim3A_144 = vector.broadcast %broadcast_in_dim3A_143 : f32 to vector<16xf32>
    %broadcast_in_dim3A_145 = arith.constant 0 : i32
    %broadcast_in_dim3A_146 = vector.broadcast %broadcast_in_dim3A_145 : i32 to vector<16xi32>
    %gather3A = tpu.vector_load_idx %arg11[%broadcast_in_dim3A_146] : memref<768xf32, #tpu.memory_space<vmem>>[vector<16xi32>], vector<16xf32>,
    %add3A_147 = arith.addf %broadcast_in_dim3A_142, %gather3A : vector<16xf32>
    %broadcast_in_dim3A_148 = arith.constant 16 : i32
    %broadcast_in_dim3A_149 = vector.broadcast %broadcast_in_dim3A_148 : i32 to vector<16xi32>
    %gather3A_150 = tpu.vector_load_idx %arg11[%broadcast_in_dim3A_149] : memref<768xf32, #tpu.memory_space<vmem>>[vector<16xi32>], vector<16xf32>,
    %max3A_151 = arith.maximumf %broadcast_in_dim3A_144, %gather3A_150 : vector<16xf32>
    %broadcast_in_dim3A_152 = arith.constant 1 : i32
    %broadcast_in_dim3A_153 = vector.broadcast %broadcast_in_dim3A_152 : i32 to vector<16xi32>
    %gather3A_154 = tpu.vector_load_idx %arg11[%broadcast_in_dim3A_153] : memref<768xf32, #tpu.memory_space<vmem>>[vector<16xi32>], vector<16xf32>,
    %add3A_155 = arith.addf %add3A_147, %gather3A_154 : vector<16xf32>
    %broadcast_in_dim3A_156 = arith.constant 17 : i32
    %broadcast_in_dim3A_157 = vector.broadcast %broadcast_in_dim3A_156 : i32 to vector<16xi32>
    %gather3A_158 = tpu.vector_load_idx %arg11[%broadcast_in_dim3A_157] : memref<768xf32, #tpu.memory_space<vmem>>[vector<16xi32>], vector<16xf32>,
    %max3A_159 = arith.maximumf %max3A_151, %gather3A_158 : vector<16xf32>
    %broadcast_in_dim3A_160 = arith.constant 2 : i32
    %broadcast_in_dim3A_161 = vector.broadcast %broadcast_in_dim3A_160 : i32 to vector<16xi32>
    %gather3A_162 = tpu.vector_load_idx %arg11[%broadcast_in_dim3A_161] : memref<768xf32, #tpu.memory_space<vmem>>[vector<16xi32>], vector<16xf32>,
    %add3A_163 = arith.addf %add3A_155, %gather3A_162 : vector<16xf32>
    %broadcast_in_dim3A_164 = arith.constant 18 : i32
    %broadcast_in_dim3A_165 = vector.broadcast %broadcast_in_dim3A_164 : i32 to vector<16xi32>
    %gather3A_166 = tpu.vector_load_idx %arg11[%broadcast_in_dim3A_165] : memref<768xf32, #tpu.memory_space<vmem>>[vector<16xi32>], vector<16xf32>,
    %max3A_167 = arith.maximumf %max3A_159, %gather3A_166 : vector<16xf32>
    %broadcast_in_dim3A_168 = arith.constant 3 : i32
    %broadcast_in_dim3A_169 = vector.broadcast %broadcast_in_dim3A_168 : i32 to vector<16xi32>
    %gather3A_170 = tpu.vector_load_idx %arg11[%broadcast_in_dim3A_169] : memref<768xf32, #tpu.memory_space<vmem>>[vector<16xi32>], vector<16xf32>,
    %add3A_171 = arith.addf %add3A_163, %gather3A_170 : vector<16xf32>
    %broadcast_in_dim3A_172 = arith.constant 19 : i32
    %broadcast_in_dim3A_173 = vector.broadcast %broadcast_in_dim3A_172 : i32 to vector<16xi32>
    %gather3A_174 = tpu.vector_load_idx %arg11[%broadcast_in_dim3A_173] : memref<768xf32, #tpu.memory_space<vmem>>[vector<16xi32>], vector<16xf32>,
    %max3A_175 = arith.maximumf %max3A_167, %gather3A_174 : vector<16xf32>
    %broadcast_in_dim3A_176 = arith.constant 4 : i32
    %broadcast_in_dim3A_177 = vector.broadcast %broadcast_in_dim3A_176 : i32 to vector<16xi32>
    %gather3A_178 = tpu.vector_load_idx %arg11[%broadcast_in_dim3A_177] : memref<768xf32, #tpu.memory_space<vmem>>[vector<16xi32>], vector<16xf32>,
    %add3A_179 = arith.addf %add3A_171, %gather3A_178 : vector<16xf32>
    %broadcast_in_dim3A_180 = arith.constant 20 : i32
    %broadcast_in_dim3A_181 = vector.broadcast %broadcast_in_dim3A_180 : i32 to vector<16xi32>
    %gather3A_182 = tpu.vector_load_idx %arg11[%broadcast_in_dim3A_181] : memref<768xf32, #tpu.memory_space<vmem>>[vector<16xi32>], vector<16xf32>,
    %max3A_183 = arith.maximumf %max3A_175, %gather3A_182 : vector<16xf32>
    %broadcast_in_dim3A_184 = arith.constant 5 : i32
    %broadcast_in_dim3A_185 = vector.broadcast %broadcast_in_dim3A_184 : i32 to vector<16xi32>
    %gather3A_186 = tpu.vector_load_idx %arg11[%broadcast_in_dim3A_185] : memref<768xf32, #tpu.memory_space<vmem>>[vector<16xi32>], vector<16xf32>,
    %add3A_187 = arith.addf %add3A_179, %gather3A_186 : vector<16xf32>
    %broadcast_in_dim3A_188 = arith.constant 21 : i32
    %broadcast_in_dim3A_189 = vector.broadcast %broadcast_in_dim3A_188 : i32 to vector<16xi32>
    %gather3A_190 = tpu.vector_load_idx %arg11[%broadcast_in_dim3A_189] : memref<768xf32, #tpu.memory_space<vmem>>[vector<16xi32>], vector<16xf32>,
    %max3A_191 = arith.maximumf %max3A_183, %gather3A_190 : vector<16xf32>
    %broadcast_in_dim3A_192 = arith.constant 6 : i32
    %broadcast_in_dim3A_193 = vector.broadcast %broadcast_in_dim3A_192 : i32 to vector<16xi32>
    %gather3A_194 = tpu.vector_load_idx %arg11[%broadcast_in_dim3A_193] : memref<768xf32, #tpu.memory_space<vmem>>[vector<16xi32>], vector<16xf32>,
    %add3A_195 = arith.addf %add3A_187, %gather3A_194 : vector<16xf32>
    %broadcast_in_dim3A_196 = arith.constant 22 : i32
    %broadcast_in_dim3A_197 = vector.broadcast %broadcast_in_dim3A_196 : i32 to vector<16xi32>
    %gather3A_198 = tpu.vector_load_idx %arg11[%broadcast_in_dim3A_197] : memref<768xf32, #tpu.memory_space<vmem>>[vector<16xi32>], vector<16xf32>,
    %max3A_199 = arith.maximumf %max3A_191, %gather3A_198 : vector<16xf32>
    %broadcast_in_dim3A_200 = arith.constant 7 : i32
    %broadcast_in_dim3A_201 = vector.broadcast %broadcast_in_dim3A_200 : i32 to vector<16xi32>
    %gather3A_202 = tpu.vector_load_idx %arg11[%broadcast_in_dim3A_201] : memref<768xf32, #tpu.memory_space<vmem>>[vector<16xi32>], vector<16xf32>,
    %add3A_203 = arith.addf %add3A_195, %gather3A_202 : vector<16xf32>
    %broadcast_in_dim3A_204 = arith.constant 23 : i32
    %broadcast_in_dim3A_205 = vector.broadcast %broadcast_in_dim3A_204 : i32 to vector<16xi32>
    %gather3A_206 = tpu.vector_load_idx %arg11[%broadcast_in_dim3A_205] : memref<768xf32, #tpu.memory_space<vmem>>[vector<16xi32>], vector<16xf32>,
    %max3A_207 = arith.maximumf %max3A_199, %gather3A_206 : vector<16xf32>
    %broadcast_in_dim3A_208 = arith.constant 8 : i32
    %broadcast_in_dim3A_209 = vector.broadcast %broadcast_in_dim3A_208 : i32 to vector<16xi32>
    %gather3A_210 = tpu.vector_load_idx %arg11[%broadcast_in_dim3A_209] : memref<768xf32, #tpu.memory_space<vmem>>[vector<16xi32>], vector<16xf32>,
    %add3A_211 = arith.addf %add3A_203, %gather3A_210 : vector<16xf32>
    %broadcast_in_dim3A_212 = arith.constant 24 : i32
    %broadcast_in_dim3A_213 = vector.broadcast %broadcast_in_dim3A_212 : i32 to vector<16xi32>
    %gather3A_214 = tpu.vector_load_idx %arg11[%broadcast_in_dim3A_213] : memref<768xf32, #tpu.memory_space<vmem>>[vector<16xi32>], vector<16xf32>,
    %max3A_215 = arith.maximumf %max3A_207, %gather3A_214 : vector<16xf32>
    %broadcast_in_dim3A_216 = arith.constant 9 : i32
    %broadcast_in_dim3A_217 = vector.broadcast %broadcast_in_dim3A_216 : i32 to vector<16xi32>
    %gather3A_218 = tpu.vector_load_idx %arg11[%broadcast_in_dim3A_217] : memref<768xf32, #tpu.memory_space<vmem>>[vector<16xi32>], vector<16xf32>,
    %add3A_219 = arith.addf %add3A_211, %gather3A_218 : vector<16xf32>
    %broadcast_in_dim3A_220 = arith.constant 25 : i32
    %broadcast_in_dim3A_221 = vector.broadcast %broadcast_in_dim3A_220 : i32 to vector<16xi32>
    %gather3A_222 = tpu.vector_load_idx %arg11[%broadcast_in_dim3A_221] : memref<768xf32, #tpu.memory_space<vmem>>[vector<16xi32>], vector<16xf32>,
    %max3A_223 = arith.maximumf %max3A_215, %gather3A_222 : vector<16xf32>
    %broadcast_in_dim3A_224 = arith.constant 10 : i32
    %broadcast_in_dim3A_225 = vector.broadcast %broadcast_in_dim3A_224 : i32 to vector<16xi32>
    %gather3A_226 = tpu.vector_load_idx %arg11[%broadcast_in_dim3A_225] : memref<768xf32, #tpu.memory_space<vmem>>[vector<16xi32>], vector<16xf32>,
    %add3A_227 = arith.addf %add3A_219, %gather3A_226 : vector<16xf32>
    %broadcast_in_dim3A_228 = arith.constant 26 : i32
    %broadcast_in_dim3A_229 = vector.broadcast %broadcast_in_dim3A_228 : i32 to vector<16xi32>
    %gather3A_230 = tpu.vector_load_idx %arg11[%broadcast_in_dim3A_229] : memref<768xf32, #tpu.memory_space<vmem>>[vector<16xi32>], vector<16xf32>,
    %max3A_231 = arith.maximumf %max3A_223, %gather3A_230 : vector<16xf32>
    %broadcast_in_dim3A_232 = arith.constant 11 : i32
    %broadcast_in_dim3A_233 = vector.broadcast %broadcast_in_dim3A_232 : i32 to vector<16xi32>
    %gather3A_234 = tpu.vector_load_idx %arg11[%broadcast_in_dim3A_233] : memref<768xf32, #tpu.memory_space<vmem>>[vector<16xi32>], vector<16xf32>,
    %add3A_235 = arith.addf %add3A_227, %gather3A_234 : vector<16xf32>
    %broadcast_in_dim3A_236 = arith.constant 27 : i32
    %broadcast_in_dim3A_237 = vector.broadcast %broadcast_in_dim3A_236 : i32 to vector<16xi32>
    %gather3A_238 = tpu.vector_load_idx %arg11[%broadcast_in_dim3A_237] : memref<768xf32, #tpu.memory_space<vmem>>[vector<16xi32>], vector<16xf32>,
    %max3A_239 = arith.maximumf %max3A_231, %gather3A_238 : vector<16xf32>
    %broadcast_in_dim3A_240 = arith.constant 12 : i32
    %broadcast_in_dim3A_241 = vector.broadcast %broadcast_in_dim3A_240 : i32 to vector<16xi32>
    %gather3A_242 = tpu.vector_load_idx %arg11[%broadcast_in_dim3A_241] : memref<768xf32, #tpu.memory_space<vmem>>[vector<16xi32>], vector<16xf32>,
    %add3A_243 = arith.addf %add3A_235, %gather3A_242 : vector<16xf32>
    %broadcast_in_dim3A_244 = arith.constant 28 : i32
    %broadcast_in_dim3A_245 = vector.broadcast %broadcast_in_dim3A_244 : i32 to vector<16xi32>
    %gather3A_246 = tpu.vector_load_idx %arg11[%broadcast_in_dim3A_245] : memref<768xf32, #tpu.memory_space<vmem>>[vector<16xi32>], vector<16xf32>,
    %max3A_247 = arith.maximumf %max3A_239, %gather3A_246 : vector<16xf32>
    %broadcast_in_dim3A_248 = arith.constant 13 : i32
    %broadcast_in_dim3A_249 = vector.broadcast %broadcast_in_dim3A_248 : i32 to vector<16xi32>
    %gather3A_250 = tpu.vector_load_idx %arg11[%broadcast_in_dim3A_249] : memref<768xf32, #tpu.memory_space<vmem>>[vector<16xi32>], vector<16xf32>,
    %add3A_251 = arith.addf %add3A_243, %gather3A_250 : vector<16xf32>
    %broadcast_in_dim3A_252 = arith.constant 29 : i32
    %broadcast_in_dim3A_253 = vector.broadcast %broadcast_in_dim3A_252 : i32 to vector<16xi32>
    %gather3A_254 = tpu.vector_load_idx %arg11[%broadcast_in_dim3A_253] : memref<768xf32, #tpu.memory_space<vmem>>[vector<16xi32>], vector<16xf32>,
    %max3A_255 = arith.maximumf %max3A_247, %gather3A_254 : vector<16xf32>
    %broadcast_in_dim3A_256 = arith.constant 14 : i32
    %broadcast_in_dim3A_257 = vector.broadcast %broadcast_in_dim3A_256 : i32 to vector<16xi32>
    %gather3A_258 = tpu.vector_load_idx %arg11[%broadcast_in_dim3A_257] : memref<768xf32, #tpu.memory_space<vmem>>[vector<16xi32>], vector<16xf32>,
    %add3A_259 = arith.addf %add3A_251, %gather3A_258 : vector<16xf32>
    %broadcast_in_dim3A_260 = arith.constant 30 : i32
    %broadcast_in_dim3A_261 = vector.broadcast %broadcast_in_dim3A_260 : i32 to vector<16xi32>
    %gather3A_262 = tpu.vector_load_idx %arg11[%broadcast_in_dim3A_261] : memref<768xf32, #tpu.memory_space<vmem>>[vector<16xi32>], vector<16xf32>,
    %max3A_263 = arith.maximumf %max3A_255, %gather3A_262 : vector<16xf32>
    %broadcast_in_dim3A_264 = arith.constant 15 : i32
    %broadcast_in_dim3A_265 = vector.broadcast %broadcast_in_dim3A_264 : i32 to vector<16xi32>
    %gather3A_266 = tpu.vector_load_idx %arg11[%broadcast_in_dim3A_265] : memref<768xf32, #tpu.memory_space<vmem>>[vector<16xi32>], vector<16xf32>,
    %add3A_267 = arith.addf %add3A_259, %gather3A_266 : vector<16xf32>
    %broadcast_in_dim3A_268 = arith.constant 31 : i32
    %broadcast_in_dim3A_269 = vector.broadcast %broadcast_in_dim3A_268 : i32 to vector<16xi32>
    %gather3A_270 = tpu.vector_load_idx %arg11[%broadcast_in_dim3A_269] : memref<768xf32, #tpu.memory_space<vmem>>[vector<16xi32>], vector<16xf32>,
    %max3A_271 = arith.maximumf %max3A_263, %gather3A_270 : vector<16xf32>
    %eq3A = arith.constant 0.000000e+00 : f32
    %eq3A_272 = vector.broadcast %eq3A : f32 to vector<16xf32>
    %eq3A_273 = arith.cmpf oeq, %max3A_271, %eq3A_272 : vector<16xf32>
    %jit3A_274 = arith.constant 1.000000e+00 : f32
    %broadcast_in_dim3A_275 = vector.broadcast %jit3A_274 : f32 to vector<16xf32>
    %select_n3A_276 = arith.select %eq3A_273, %broadcast_in_dim3A_275, %add3A_267 : vector<16xi1>, vector<16xf32>
    %add3A_277 = arith.constant 9.99999997E-7 : f32
    %add3A_278 = vector.broadcast %add3A_277 : f32 to vector<16xf32>
    %add3A_279 = arith.addf %select_n3A_276, %add3A_278 : vector<16xf32>
    %div3A = arith.constant 1.000000e+00 : f32
    %div3A_280 = vector.broadcast %div3A : f32 to vector<16xf32>
    %div3A_281 = arith.divf %div3A_280, %add3A_279 : vector<16xf32>
    %mul3A_282 = arith.constant 224 : i32
    %mul3A_283 = arith.muli %arg1, %mul3A_282 : i32
    %mul3A_284 = arith.constant 112 : i32
    %mul3A_285 = arith.muli %arg0, %mul3A_284 : i32
    %add3A_286 = arith.addi %mul3A_283, %mul3A_285 : i32
    "tpu.region"() ({
      %run_scoped3A = tpu.sem_alloc : memref<!tpu.dma_semaphore, #tpu.memory_space<semaphore_mem>>
      %dma_start3A_589 = tpu.memref_slice %arg2[%add3A_286] : memref<3584xf32, #tpu.memory_space<hbm>> -> memref<112xf32, #tpu.memory_space<hbm>>
      %dma_start3A_590 = tpu.memref_slice %arg2[%add3A_286] : memref<3584xf32, #tpu.memory_space<hbm>> -> memref<112xf32, #tpu.memory_space<hbm>>
      tpu.enqueue_dma source(%dma_start3A_590 : memref<112xf32, #tpu.memory_space<hbm>>) target(%arg7 : memref<112xf32, #tpu.memory_space<vmem>>) target_semaphore(%run_scoped3A : memref<!tpu.dma_semaphore, #tpu.memory_space<semaphore_mem>>)
      %dma_wait3A_591 = tpu.memref_slice %arg2[%add3A_286] : memref<3584xf32, #tpu.memory_space<hbm>> -> memref<112xf32, #tpu.memory_space<hbm>>
      %dma_wait3A_592 = tpu.memref_slice %arg2[%add3A_286] : memref<3584xf32, #tpu.memory_space<hbm>> -> memref<112xf32, #tpu.memory_space<hbm>>
      tpu.wait_dma2 semaphore(%run_scoped3A : memref<!tpu.dma_semaphore, #tpu.memory_space<semaphore_mem>>) src(%dma_wait3A_592 : memref<112xf32, #tpu.memory_space<hbm>>) dst(%arg7 : memref<112xf32, #tpu.memory_space<vmem>>)
      tpu.yield
    }) : () -> ()
    %eq3A_287 = arith.constant 0 : i32
    %eq3A_288 = arith.cmpi eq, %arg0, %eq3A_287 : i32
    %and3A = vector.broadcast %eq3A_288 : i1 to vector<16xi1>
    %and3A_289 = arith.andi %and3A, %eq3A_273 : vector<16xi1>
    %get3A_290 = arith.constant 0 : index
    %get3A_291 = tpu.vector_load %arg7[%get3A_290] {strides = array<i32>} : memref<112xf32, #tpu.memory_space<vmem>>, vector<16xf32>,
    %lt3A_292 = arith.constant 5.000000e-01 : f32
    %lt3A_293 = vector.broadcast %lt3A_292 : f32 to vector<16xf32>
    %lt3A_294 = arith.cmpf olt, %get3A_291, %lt3A_293 : vector<16xf32>
    %jit3A_295 = arith.constant 0.000000e+00 : f32
    %broadcast_in_dim3A_296 = vector.broadcast %jit3A_295 : f32 to vector<16xf32>
    %select_n3A_297 = arith.select %lt3A_294, %broadcast_in_dim3A_296, %get3A_291 : vector<16xi1>, vector<16xf32>
    %mul3A_298 = arith.mulf %select_n3A_297, %div3A_281 : vector<16xf32>
    %iota3A = tpu.iota {dimensions = array<i32: 0>} : vector<16xi32>
    %eq3A_299 = arith.constant 0 : i32
    %eq3A_300 = vector.broadcast %eq3A_299 : i32 to vector<16xi32>
    %eq3A_301 = arith.cmpi eq, %iota3A, %eq3A_300 : vector<16xi32>
    %and3A_302 = arith.andi %eq3A_301, %and3A_289 : vector<16xi1>
    %select_n3A_303 = arith.select %and3A_302, %div3A_281, %mul3A_298 : vector<16xi1>, vector<16xf32>
    %swap3A_304 = arith.constant 0 : index
    %swap3A_305 = tpu.vector_load %arg9[%swap3A_304] {strides = array<i32>} : memref<112xf32, #tpu.memory_space<vmem>>, vector<16xf32>,
    tpu.vector_store %arg9[%swap3A_304], %select_n3A_303 {strides = array<i32>} : memref<112xf32, #tpu.memory_space<vmem>>, vector<16xf32>,
    %get3A_306 = arith.constant 16 : index
    %get3A_307 = tpu.vector_load %arg7[%get3A_306] {strides = array<i32>} : memref<112xf32, #tpu.memory_space<vmem>>, vector<16xf32>,
    %lt3A_308 = arith.constant 5.000000e-01 : f32
    %lt3A_309 = vector.broadcast %lt3A_308 : f32 to vector<16xf32>
    %lt3A_310 = arith.cmpf olt, %get3A_307, %lt3A_309 : vector<16xf32>
    %jit3A_311 = arith.constant 0.000000e+00 : f32
    %broadcast_in_dim3A_312 = vector.broadcast %jit3A_311 : f32 to vector<16xf32>
    %select_n3A_313 = arith.select %lt3A_310, %broadcast_in_dim3A_312, %get3A_307 : vector<16xi1>, vector<16xf32>
    %mul3A_314 = arith.mulf %select_n3A_313, %div3A_281 : vector<16xf32>
    %swap3A_315 = arith.constant 16 : index
    %swap3A_316 = tpu.vector_load %arg9[%swap3A_315] {strides = array<i32>} : memref<112xf32, #tpu.memory_space<vmem>>, vector<16xf32>,
    tpu.vector_store %arg9[%swap3A_315], %mul3A_314 {strides = array<i32>} : memref<112xf32, #tpu.memory_space<vmem>>, vector<16xf32>,
    %get3A_317 = arith.constant 32 : index
    %get3A_318 = tpu.vector_load %arg7[%get3A_317] {strides = array<i32>} : memref<112xf32, #tpu.memory_space<vmem>>, vector<16xf32>,
    %lt3A_319 = arith.constant 5.000000e-01 : f32
    %lt3A_320 = vector.broadcast %lt3A_319 : f32 to vector<16xf32>
    %lt3A_321 = arith.cmpf olt, %get3A_318, %lt3A_320 : vector<16xf32>
    %jit3A_322 = arith.constant 0.000000e+00 : f32
    %broadcast_in_dim3A_323 = vector.broadcast %jit3A_322 : f32 to vector<16xf32>
    %select_n3A_324 = arith.select %lt3A_321, %broadcast_in_dim3A_323, %get3A_318 : vector<16xi1>, vector<16xf32>
    %mul3A_325 = arith.mulf %select_n3A_324, %div3A_281 : vector<16xf32>
    %swap3A_326 = arith.constant 32 : index
    %swap3A_327 = tpu.vector_load %arg9[%swap3A_326] {strides = array<i32>} : memref<112xf32, #tpu.memory_space<vmem>>, vector<16xf32>,
    tpu.vector_store %arg9[%swap3A_326], %mul3A_325 {strides = array<i32>} : memref<112xf32, #tpu.memory_space<vmem>>, vector<16xf32>,
    %get3A_328 = arith.constant 48 : index
    %get3A_329 = tpu.vector_load %arg7[%get3A_328] {strides = array<i32>} : memref<112xf32, #tpu.memory_space<vmem>>, vector<16xf32>,
    %lt3A_330 = arith.constant 5.000000e-01 : f32
    %lt3A_331 = vector.broadcast %lt3A_330 : f32 to vector<16xf32>
    %lt3A_332 = arith.cmpf olt, %get3A_329, %lt3A_331 : vector<16xf32>
    %jit3A_333 = arith.constant 0.000000e+00 : f32
    %broadcast_in_dim3A_334 = vector.broadcast %jit3A_333 : f32 to vector<16xf32>
    %select_n3A_335 = arith.select %lt3A_332, %broadcast_in_dim3A_334, %get3A_329 : vector<16xi1>, vector<16xf32>
    %mul3A_336 = arith.mulf %select_n3A_335, %div3A_281 : vector<16xf32>
    %swap3A_337 = arith.constant 48 : index
    %swap3A_338 = tpu.vector_load %arg9[%swap3A_337] {strides = array<i32>} : memref<112xf32, #tpu.memory_space<vmem>>, vector<16xf32>,
    tpu.vector_store %arg9[%swap3A_337], %mul3A_336 {strides = array<i32>} : memref<112xf32, #tpu.memory_space<vmem>>, vector<16xf32>,
    %get3A_339 = arith.constant 64 : index
    %get3A_340 = tpu.vector_load %arg7[%get3A_339] {strides = array<i32>} : memref<112xf32, #tpu.memory_space<vmem>>, vector<16xf32>,
    %lt3A_341 = arith.constant 5.000000e-01 : f32
    %lt3A_342 = vector.broadcast %lt3A_341 : f32 to vector<16xf32>
    %lt3A_343 = arith.cmpf olt, %get3A_340, %lt3A_342 : vector<16xf32>
    %jit3A_344 = arith.constant 0.000000e+00 : f32
    %broadcast_in_dim3A_345 = vector.broadcast %jit3A_344 : f32 to vector<16xf32>
    %select_n3A_346 = arith.select %lt3A_343, %broadcast_in_dim3A_345, %get3A_340 : vector<16xi1>, vector<16xf32>
    %mul3A_347 = arith.mulf %select_n3A_346, %div3A_281 : vector<16xf32>
    %swap3A_348 = arith.constant 64 : index
    %swap3A_349 = tpu.vector_load %arg9[%swap3A_348] {strides = array<i32>} : memref<112xf32, #tpu.memory_space<vmem>>, vector<16xf32>,
    tpu.vector_store %arg9[%swap3A_348], %mul3A_347 {strides = array<i32>} : memref<112xf32, #tpu.memory_space<vmem>>, vector<16xf32>,
    %get3A_350 = arith.constant 80 : index
    %get3A_351 = tpu.vector_load %arg7[%get3A_350] {strides = array<i32>} : memref<112xf32, #tpu.memory_space<vmem>>, vector<16xf32>,
    %lt3A_352 = arith.constant 5.000000e-01 : f32
    %lt3A_353 = vector.broadcast %lt3A_352 : f32 to vector<16xf32>
    %lt3A_354 = arith.cmpf olt, %get3A_351, %lt3A_353 : vector<16xf32>
    %jit3A_355 = arith.constant 0.000000e+00 : f32
    %broadcast_in_dim3A_356 = vector.broadcast %jit3A_355 : f32 to vector<16xf32>
    %select_n3A_357 = arith.select %lt3A_354, %broadcast_in_dim3A_356, %get3A_351 : vector<16xi1>, vector<16xf32>
    %mul3A_358 = arith.mulf %select_n3A_357, %div3A_281 : vector<16xf32>
    %swap3A_359 = arith.constant 80 : index
    %swap3A_360 = tpu.vector_load %arg9[%swap3A_359] {strides = array<i32>} : memref<112xf32, #tpu.memory_space<vmem>>, vector<16xf32>,
    tpu.vector_store %arg9[%swap3A_359], %mul3A_358 {strides = array<i32>} : memref<112xf32, #tpu.memory_space<vmem>>, vector<16xf32>,
    %get3A_361 = arith.constant 96 : index
    %get3A_362 = tpu.vector_load %arg7[%get3A_361] {strides = array<i32>} : memref<112xf32, #tpu.memory_space<vmem>>, vector<16xf32>,
    %lt3A_363 = arith.constant 5.000000e-01 : f32
    %lt3A_364 = vector.broadcast %lt3A_363 : f32 to vector<16xf32>
    %lt3A_365 = arith.cmpf olt, %get3A_362, %lt3A_364 : vector<16xf32>
    %jit3A_366 = arith.constant 0.000000e+00 : f32
    %broadcast_in_dim3A_367 = vector.broadcast %jit3A_366 : f32 to vector<16xf32>
    %select_n3A_368 = arith.select %lt3A_365, %broadcast_in_dim3A_367, %get3A_362 : vector<16xi1>, vector<16xf32>
    %mul3A_369 = arith.mulf %select_n3A_368, %div3A_281 : vector<16xf32>
    %swap3A_370 = arith.constant 96 : index
    %swap3A_371 = tpu.vector_load %arg9[%swap3A_370] {strides = array<i32>} : memref<112xf32, #tpu.memory_space<vmem>>, vector<16xf32>,
    tpu.vector_store %arg9[%swap3A_370], %mul3A_369 {strides = array<i32>} : memref<112xf32, #tpu.memory_space<vmem>>, vector<16xf32>,
    %mul3A_372 = arith.constant 224 : i32
    %mul3A_373 = arith.muli %arg1, %mul3A_372 : i32
    %mul3A_374 = arith.constant 112 : i32
    %mul3A_375 = arith.muli %arg0, %mul3A_374 : i32
    %add3A_376 = arith.addi %mul3A_373, %mul3A_375 : i32
    "tpu.region"() ({
      %run_scoped3A = tpu.sem_alloc : memref<!tpu.dma_semaphore, #tpu.memory_space<semaphore_mem>>
      %dma_start3A_589 = tpu.memref_slice %arg3[%add3A_376] : memref<3584xi32, #tpu.memory_space<hbm>> -> memref<112xi32, #tpu.memory_space<hbm>>
      %dma_start3A_590 = tpu.memref_slice %arg3[%add3A_376] : memref<3584xi32, #tpu.memory_space<hbm>> -> memref<112xi32, #tpu.memory_space<hbm>>
      tpu.enqueue_dma source(%dma_start3A_590 : memref<112xi32, #tpu.memory_space<hbm>>) target(%arg8 : memref<112xi32, #tpu.memory_space<vmem>>) target_semaphore(%run_scoped3A : memref<!tpu.dma_semaphore, #tpu.memory_space<semaphore_mem>>)
      %dma_wait3A_591 = tpu.memref_slice %arg3[%add3A_376] : memref<3584xi32, #tpu.memory_space<hbm>> -> memref<112xi32, #tpu.memory_space<hbm>>
      %dma_wait3A_592 = tpu.memref_slice %arg3[%add3A_376] : memref<3584xi32, #tpu.memory_space<hbm>> -> memref<112xi32, #tpu.memory_space<hbm>>
      tpu.wait_dma2 semaphore(%run_scoped3A : memref<!tpu.dma_semaphore, #tpu.memory_space<semaphore_mem>>) src(%dma_wait3A_592 : memref<112xi32, #tpu.memory_space<hbm>>) dst(%arg8 : memref<112xi32, #tpu.memory_space<vmem>>)
      tpu.yield
    }) : () -> ()
    %dma_start3A = arith.constant 0 : i32
    %dma_start3A_377 = arith.constant 0 : i32
    %dma_start3A_378 = tpu.memref_slice %arg4[%dma_start3A, %dma_start3A_377] : memref<1000x768xf32, #tpu.memory_space<hbm>> -> memref<1000x768xf32, #tpu.memory_space<hbm>>
    tpu.enqueue_indirect_dma source(%dma_start3A_378 : memref<1000x768xf32, #tpu.memory_space<hbm>>) target(%arg10 : memref<112x768xf32, #tpu.memory_space<vmem>>) offsets(%arg8 : memref<112xi32, #tpu.memory_space<vmem>>) semaphore(%arg12 : memref<!tpu.dma_semaphore, #tpu.memory_space<semaphore_mem>>)
    %dma_wait3A = arith.constant 0 : i32
    %dma_wait3A_379 = arith.constant 0 : i32
    %dma_wait3A_380 = tpu.memref_slice %arg4[%dma_wait3A, %dma_wait3A_379] : memref<1000x768xf32, #tpu.memory_space<hbm>> -> memref<1000x768xf32, #tpu.memory_space<hbm>>
    tpu.wait_indirect_dma semaphore(%arg12 : memref<!tpu.dma_semaphore, #tpu.memory_space<semaphore_mem>>) src(%dma_wait3A_380 : memref<1000x768xf32, #tpu.memory_space<hbm>>) dst(%arg10 : memref<112x768xf32, #tpu.memory_space<vmem>>)
    %broadcast_in_dim3A_381 = arith.constant 0.000000e+00 : f32
    %broadcast_in_dim3A_382 = vector.broadcast %broadcast_in_dim3A_381 : f32 to vector<16xf32>
    %broadcast_in_dim3A_383 = arith.constant 0.000000e+00 : f32
    %broadcast_in_dim3A_384 = vector.broadcast %broadcast_in_dim3A_383 : f32 to vector<16xf32>
    %broadcast_in_dim3A_385 = arith.constant 0.000000e+00 : f32
    %broadcast_in_dim3A_386 = vector.broadcast %broadcast_in_dim3A_385 : f32 to vector<16xf32>
    %broadcast_in_dim3A_387 = arith.constant 0.000000e+00 : f32
    %broadcast_in_dim3A_388 = vector.broadcast %broadcast_in_dim3A_387 : f32 to vector<16xf32>
    %broadcast_in_dim3A_389 = arith.constant 0.000000e+00 : f32
    %broadcast_in_dim3A_390 = vector.broadcast %broadcast_in_dim3A_389 : f32 to vector<16xf32>
    %broadcast_in_dim3A_391 = arith.constant 0.000000e+00 : f32
    %broadcast_in_dim3A_392 = vector.broadcast %broadcast_in_dim3A_391 : f32 to vector<16xf32>
    %broadcast_in_dim3A_393 = arith.constant 0.000000e+00 : f32
    %broadcast_in_dim3A_394 = vector.broadcast %broadcast_in_dim3A_393 : f32 to vector<16xf32>
    %broadcast_in_dim3A_395 = arith.constant 0.000000e+00 : f32
    %broadcast_in_dim3A_396 = vector.broadcast %broadcast_in_dim3A_395 : f32 to vector<16xf32>
    %broadcast_in_dim3A_397 = arith.constant 0.000000e+00 : f32
    %broadcast_in_dim3A_398 = vector.broadcast %broadcast_in_dim3A_397 : f32 to vector<16xf32>
    %broadcast_in_dim3A_399 = arith.constant 0.000000e+00 : f32
    %broadcast_in_dim3A_400 = vector.broadcast %broadcast_in_dim3A_399 : f32 to vector<16xf32>
    %broadcast_in_dim3A_401 = arith.constant 0.000000e+00 : f32
    %broadcast_in_dim3A_402 = vector.broadcast %broadcast_in_dim3A_401 : f32 to vector<16xf32>
    %broadcast_in_dim3A_403 = arith.constant 0.000000e+00 : f32
    %broadcast_in_dim3A_404 = vector.broadcast %broadcast_in_dim3A_403 : f32 to vector<16xf32>
    %broadcast_in_dim3A_405 = arith.constant 0.000000e+00 : f32
    %broadcast_in_dim3A_406 = vector.broadcast %broadcast_in_dim3A_405 : f32 to vector<16xf32>
    %broadcast_in_dim3A_407 = arith.constant 0.000000e+00 : f32
    %broadcast_in_dim3A_408 = vector.broadcast %broadcast_in_dim3A_407 : f32 to vector<16xf32>
    %broadcast_in_dim3A_409 = arith.constant 0.000000e+00 : f32
    %broadcast_in_dim3A_410 = vector.broadcast %broadcast_in_dim3A_409 : f32 to vector<16xf32>
    %broadcast_in_dim3A_411 = arith.constant 0.000000e+00 : f32
    %broadcast_in_dim3A_412 = vector.broadcast %broadcast_in_dim3A_411 : f32 to vector<16xf32>
    %broadcast_in_dim3A_413 = arith.constant 0.000000e+00 : f32
    %broadcast_in_dim3A_414 = vector.broadcast %broadcast_in_dim3A_413 : f32 to vector<16xf32>
    %broadcast_in_dim3A_415 = arith.constant 0.000000e+00 : f32
    %broadcast_in_dim3A_416 = vector.broadcast %broadcast_in_dim3A_415 : f32 to vector<16xf32>
    %broadcast_in_dim3A_417 = arith.constant 0.000000e+00 : f32
    %broadcast_in_dim3A_418 = vector.broadcast %broadcast_in_dim3A_417 : f32 to vector<16xf32>
    %broadcast_in_dim3A_419 = arith.constant 0.000000e+00 : f32
    %broadcast_in_dim3A_420 = vector.broadcast %broadcast_in_dim3A_419 : f32 to vector<16xf32>
    %broadcast_in_dim3A_421 = arith.constant 0.000000e+00 : f32
    %broadcast_in_dim3A_422 = vector.broadcast %broadcast_in_dim3A_421 : f32 to vector<16xf32>
    %broadcast_in_dim3A_423 = arith.constant 0.000000e+00 : f32
    %broadcast_in_dim3A_424 = vector.broadcast %broadcast_in_dim3A_423 : f32 to vector<16xf32>
    %broadcast_in_dim3A_425 = arith.constant 0.000000e+00 : f32
    %broadcast_in_dim3A_426 = vector.broadcast %broadcast_in_dim3A_425 : f32 to vector<16xf32>
    %broadcast_in_dim3A_427 = arith.constant 0.000000e+00 : f32
    %broadcast_in_dim3A_428 = vector.broadcast %broadcast_in_dim3A_427 : f32 to vector<16xf32>
    %scan3A = arith.constant 0 : i32
    %scan3A_429 = arith.constant 112 : i32
    %scan3A_430 = arith.addi %scan3A, %scan3A_429 : i32
    %scan3A_431 = arith.constant 1 : i32
    %scan3A_432:24 = scf.for %scan3A_589 = %scan3A to %scan3A_430 step %scan3A_431 iter_args(%scan3A_590 = %broadcast_in_dim3A_382, %scan3A_591 = %broadcast_in_dim3A_384, %scan3A_592 = %broadcast_in_dim3A_386, %scan3A_593 = %broadcast_in_dim3A_388, %scan3A_594 = %broadcast_in_dim3A_390, %scan3A_595 = %broadcast_in_dim3A_392, %scan3A_596 = %broadcast_in_dim3A_394, %scan3A_597 = %broadcast_in_dim3A_396, %scan3A_598 = %broadcast_in_dim3A_398, %scan3A_599 = %broadcast_in_dim3A_400, %scan3A_600 = %broadcast_in_dim3A_402, %scan3A_601 = %broadcast_in_dim3A_404, %scan3A_602 = %broadcast_in_dim3A_406, %scan3A_603 = %broadcast_in_dim3A_408, %scan3A_604 = %broadcast_in_dim3A_410, %scan3A_605 = %broadcast_in_dim3A_412, %scan3A_606 = %broadcast_in_dim3A_414, %scan3A_607 = %broadcast_in_dim3A_416, %scan3A_608 = %broadcast_in_dim3A_418, %scan3A_609 = %broadcast_in_dim3A_420, %scan3A_610 = %broadcast_in_dim3A_422, %scan3A_611 = %broadcast_in_dim3A_424, %scan3A_612 = %broadcast_in_dim3A_426, %scan3A_613 = %broadcast_in_dim3A_428) -> (vector<16xf32>, vector<16xf32>, vector<16xf32>, vector<16xf32>, vector<16xf32>, vector<16xf32>, vector<16xf32>, vector<16xf32>, vector<16xf32>, vector<16xf32>, vector<16xf32>, vector<16xf32>, vector<16xf32>, vector<16xf32>, vector<16xf32>, vector<16xf32>, vector<16xf32>, vector<16xf32>, vector<16xf32>, vector<16xf32>, vector<16xf32>, vector<16xf32>, vector<16xf32>, vector<16xf32>)  : i32 {
      %broadcast_in_dim3A_614 = vector.broadcast %scan3A_589 : i32 to vector<16xi32>
      %gather3A_615 = tpu.vector_load_idx %arg9[%broadcast_in_dim3A_614] : memref<112xf32, #tpu.memory_space<vmem>>[vector<16xi32>], vector<16xf32>,
      %get3A_616 = arith.index_cast %scan3A_589 : i32 to index
      %get3A_617 = arith.constant 0 : index
      %get3A_618 = tpu.vector_load %arg10[%get3A_616, %get3A_617] {strides = array<i32>} : memref<112x768xf32, #tpu.memory_space<vmem>>, vector<16xf32>,
      %mul3A_619 = arith.mulf %gather3A_615, %get3A_618 : vector<16xf32>
      %add3A_620 = arith.addf %scan3A_590, %mul3A_619 : vector<16xf32>
      %get3A_621 = arith.index_cast %scan3A_589 : i32 to index
      %get3A_622 = arith.constant 16 : index
      %get3A_623 = tpu.vector_load %arg10[%get3A_621, %get3A_622] {strides = array<i32>} : memref<112x768xf32, #tpu.memory_space<vmem>>, vector<16xf32>,
      %mul3A_624 = arith.mulf %gather3A_615, %get3A_623 : vector<16xf32>
      %add3A_625 = arith.addf %scan3A_591, %mul3A_624 : vector<16xf32>
      %get3A_626 = arith.index_cast %scan3A_589 : i32 to index
      %get3A_627 = arith.constant 32 : index
      %get3A_628 = tpu.vector_load %arg10[%get3A_626, %get3A_627] {strides = array<i32>} : memref<112x768xf32, #tpu.memory_space<vmem>>, vector<16xf32>,
      %mul3A_629 = arith.mulf %gather3A_615, %get3A_628 : vector<16xf32>
      %add3A_630 = arith.addf %scan3A_592, %mul3A_629 : vector<16xf32>
      %get3A_631 = arith.index_cast %scan3A_589 : i32 to index
      %get3A_632 = arith.constant 48 : index
      %get3A_633 = tpu.vector_load %arg10[%get3A_631, %get3A_632] {strides = array<i32>} : memref<112x768xf32, #tpu.memory_space<vmem>>, vector<16xf32>,
      %mul3A_634 = arith.mulf %gather3A_615, %get3A_633 : vector<16xf32>
      %add3A_635 = arith.addf %scan3A_593, %mul3A_634 : vector<16xf32>
      %get3A_636 = arith.index_cast %scan3A_589 : i32 to index
      %get3A_637 = arith.constant 64 : index
      %get3A_638 = tpu.vector_load %arg10[%get3A_636, %get3A_637] {strides = array<i32>} : memref<112x768xf32, #tpu.memory_space<vmem>>, vector<16xf32>,
      %mul3A_639 = arith.mulf %gather3A_615, %get3A_638 : vector<16xf32>
      %add3A_640 = arith.addf %scan3A_594, %mul3A_639 : vector<16xf32>
      %get3A_641 = arith.index_cast %scan3A_589 : i32 to index
      %get3A_642 = arith.constant 80 : index
      %get3A_643 = tpu.vector_load %arg10[%get3A_641, %get3A_642] {strides = array<i32>} : memref<112x768xf32, #tpu.memory_space<vmem>>, vector<16xf32>,
      %mul3A_644 = arith.mulf %gather3A_615, %get3A_643 : vector<16xf32>
      %add3A_645 = arith.addf %scan3A_595, %mul3A_644 : vector<16xf32>
      %get3A_646 = arith.index_cast %scan3A_589 : i32 to index
      %get3A_647 = arith.constant 96 : index
      %get3A_648 = tpu.vector_load %arg10[%get3A_646, %get3A_647] {strides = array<i32>} : memref<112x768xf32, #tpu.memory_space<vmem>>, vector<16xf32>,
      %mul3A_649 = arith.mulf %gather3A_615, %get3A_648 : vector<16xf32>
      %add3A_650 = arith.addf %scan3A_596, %mul3A_649 : vector<16xf32>
      %get3A_651 = arith.index_cast %scan3A_589 : i32 to index
      %get3A_652 = arith.constant 112 : index
      %get3A_653 = tpu.vector_load %arg10[%get3A_651, %get3A_652] {strides = array<i32>} : memref<112x768xf32, #tpu.memory_space<vmem>>, vector<16xf32>,
      %mul3A_654 = arith.mulf %gather3A_615, %get3A_653 : vector<16xf32>
      %add3A_655 = arith.addf %scan3A_597, %mul3A_654 : vector<16xf32>
      %get3A_656 = arith.index_cast %scan3A_589 : i32 to index
      %get3A_657 = arith.constant 128 : index
      %get3A_658 = tpu.vector_load %arg10[%get3A_656, %get3A_657] {strides = array<i32>} : memref<112x768xf32, #tpu.memory_space<vmem>>, vector<16xf32>,
      %mul3A_659 = arith.mulf %gather3A_615, %get3A_658 : vector<16xf32>
      %add3A_660 = arith.addf %scan3A_598, %mul3A_659 : vector<16xf32>
      %get3A_661 = arith.index_cast %scan3A_589 : i32 to index
      %get3A_662 = arith.constant 144 : index
      %get3A_663 = tpu.vector_load %arg10[%get3A_661, %get3A_662] {strides = array<i32>} : memref<112x768xf32, #tpu.memory_space<vmem>>, vector<16xf32>,
      %mul3A_664 = arith.mulf %gather3A_615, %get3A_663 : vector<16xf32>
      %add3A_665 = arith.addf %scan3A_599, %mul3A_664 : vector<16xf32>
      %get3A_666 = arith.index_cast %scan3A_589 : i32 to index
      %get3A_667 = arith.constant 160 : index
      %get3A_668 = tpu.vector_load %arg10[%get3A_666, %get3A_667] {strides = array<i32>} : memref<112x768xf32, #tpu.memory_space<vmem>>, vector<16xf32>,
      %mul3A_669 = arith.mulf %gather3A_615, %get3A_668 : vector<16xf32>
      %add3A_670 = arith.addf %scan3A_600, %mul3A_669 : vector<16xf32>
      %get3A_671 = arith.index_cast %scan3A_589 : i32 to index
      %get3A_672 = arith.constant 176 : index
      %get3A_673 = tpu.vector_load %arg10[%get3A_671, %get3A_672] {strides = array<i32>} : memref<112x768xf32, #tpu.memory_space<vmem>>, vector<16xf32>,
      %mul3A_674 = arith.mulf %gather3A_615, %get3A_673 : vector<16xf32>
      %add3A_675 = arith.addf %scan3A_601, %mul3A_674 : vector<16xf32>
      %get3A_676 = arith.index_cast %scan3A_589 : i32 to index
      %get3A_677 = arith.constant 192 : index
      %get3A_678 = tpu.vector_load %arg10[%get3A_676, %get3A_677] {strides = array<i32>} : memref<112x768xf32, #tpu.memory_space<vmem>>, vector<16xf32>,
      %mul3A_679 = arith.mulf %gather3A_615, %get3A_678 : vector<16xf32>
      %add3A_680 = arith.addf %scan3A_602, %mul3A_679 : vector<16xf32>
      %get3A_681 = arith.index_cast %scan3A_589 : i32 to index
      %get3A_682 = arith.constant 208 : index
      %get3A_683 = tpu.vector_load %arg10[%get3A_681, %get3A_682] {strides = array<i32>} : memref<112x768xf32, #tpu.memory_space<vmem>>, vector<16xf32>,
      %mul3A_684 = arith.mulf %gather3A_615, %get3A_683 : vector<16xf32>
      %add3A_685 = arith.addf %scan3A_603, %mul3A_684 : vector<16xf32>
      %get3A_686 = arith.index_cast %scan3A_589 : i32 to index
      %get3A_687 = arith.constant 224 : index
      %get3A_688 = tpu.vector_load %arg10[%get3A_686, %get3A_687] {strides = array<i32>} : memref<112x768xf32, #tpu.memory_space<vmem>>, vector<16xf32>,
      %mul3A_689 = arith.mulf %gather3A_615, %get3A_688 : vector<16xf32>
      %add3A_690 = arith.addf %scan3A_604, %mul3A_689 : vector<16xf32>
      %get3A_691 = arith.index_cast %scan3A_589 : i32 to index
      %get3A_692 = arith.constant 240 : index
      %get3A_693 = tpu.vector_load %arg10[%get3A_691, %get3A_692] {strides = array<i32>} : memref<112x768xf32, #tpu.memory_space<vmem>>, vector<16xf32>,
      %mul3A_694 = arith.mulf %gather3A_615, %get3A_693 : vector<16xf32>
      %add3A_695 = arith.addf %scan3A_605, %mul3A_694 : vector<16xf32>
      %get3A_696 = arith.index_cast %scan3A_589 : i32 to index
      %get3A_697 = arith.constant 256 : index
      %get3A_698 = tpu.vector_load %arg10[%get3A_696, %get3A_697] {strides = array<i32>} : memref<112x768xf32, #tpu.memory_space<vmem>>, vector<16xf32>,
      %mul3A_699 = arith.mulf %gather3A_615, %get3A_698 : vector<16xf32>
      %add3A_700 = arith.addf %scan3A_606, %mul3A_699 : vector<16xf32>
      %get3A_701 = arith.index_cast %scan3A_589 : i32 to index
      %get3A_702 = arith.constant 272 : index
      %get3A_703 = tpu.vector_load %arg10[%get3A_701, %get3A_702] {strides = array<i32>} : memref<112x768xf32, #tpu.memory_space<vmem>>, vector<16xf32>,
      %mul3A_704 = arith.mulf %gather3A_615, %get3A_703 : vector<16xf32>
      %add3A_705 = arith.addf %scan3A_607, %mul3A_704 : vector<16xf32>
      %get3A_706 = arith.index_cast %scan3A_589 : i32 to index
      %get3A_707 = arith.constant 288 : index
      %get3A_708 = tpu.vector_load %arg10[%get3A_706, %get3A_707] {strides = array<i32>} : memref<112x768xf32, #tpu.memory_space<vmem>>, vector<16xf32>,
      %mul3A_709 = arith.mulf %gather3A_615, %get3A_708 : vector<16xf32>
      %add3A_710 = arith.addf %scan3A_608, %mul3A_709 : vector<16xf32>
      %get3A_711 = arith.index_cast %scan3A_589 : i32 to index
      %get3A_712 = arith.constant 304 : index
      %get3A_713 = tpu.vector_load %arg10[%get3A_711, %get3A_712] {strides = array<i32>} : memref<112x768xf32, #tpu.memory_space<vmem>>, vector<16xf32>,
      %mul3A_714 = arith.mulf %gather3A_615, %get3A_713 : vector<16xf32>
      %add3A_715 = arith.addf %scan3A_609, %mul3A_714 : vector<16xf32>
      %get3A_716 = arith.index_cast %scan3A_589 : i32 to index
      %get3A_717 = arith.constant 320 : index
      %get3A_718 = tpu.vector_load %arg10[%get3A_716, %get3A_717] {strides = array<i32>} : memref<112x768xf32, #tpu.memory_space<vmem>>, vector<16xf32>,
      %mul3A_719 = arith.mulf %gather3A_615, %get3A_718 : vector<16xf32>
      %add3A_720 = arith.addf %scan3A_610, %mul3A_719 : vector<16xf32>
      %get3A_721 = arith.index_cast %scan3A_589 : i32 to index
      %get3A_722 = arith.constant 336 : index
      %get3A_723 = tpu.vector_load %arg10[%get3A_721, %get3A_722] {strides = array<i32>} : memref<112x768xf32, #tpu.memory_space<vmem>>, vector<16xf32>,
      %mul3A_724 = arith.mulf %gather3A_615, %get3A_723 : vector<16xf32>
      %add3A_725 = arith.addf %scan3A_611, %mul3A_724 : vector<16xf32>
      %get3A_726 = arith.index_cast %scan3A_589 : i32 to index
      %get3A_727 = arith.constant 352 : index
      %get3A_728 = tpu.vector_load %arg10[%get3A_726, %get3A_727] {strides = array<i32>} : memref<112x768xf32, #tpu.memory_space<vmem>>, vector<16xf32>,
      %mul3A_729 = arith.mulf %gather3A_615, %get3A_728 : vector<16xf32>
      %add3A_730 = arith.addf %scan3A_612, %mul3A_729 : vector<16xf32>
      %get3A_731 = arith.index_cast %scan3A_589 : i32 to index
      %get3A_732 = arith.constant 368 : index
      %get3A_733 = tpu.vector_load %arg10[%get3A_731, %get3A_732] {strides = array<i32>} : memref<112x768xf32, #tpu.memory_space<vmem>>, vector<16xf32>,
      %mul3A_734 = arith.mulf %gather3A_615, %get3A_733 : vector<16xf32>
      %add3A_735 = arith.addf %scan3A_613, %mul3A_734 : vector<16xf32>
      scf.yield %add3A_620, %add3A_625, %add3A_630, %add3A_635, %add3A_640, %add3A_645, %add3A_650, %add3A_655, %add3A_660, %add3A_665, %add3A_670, %add3A_675, %add3A_680, %add3A_685, %add3A_690, %add3A_695, %add3A_700, %add3A_705, %add3A_710, %add3A_715, %add3A_720, %add3A_725, %add3A_730, %add3A_735 : vector<16xf32>, vector<16xf32>, vector<16xf32>, vector<16xf32>, vector<16xf32>, vector<16xf32>, vector<16xf32>, vector<16xf32>, vector<16xf32>, vector<16xf32>, vector<16xf32>, vector<16xf32>, vector<16xf32>, vector<16xf32>, vector<16xf32>, vector<16xf32>, vector<16xf32>, vector<16xf32>, vector<16xf32>, vector<16xf32>, vector<16xf32>, vector<16xf32>, vector<16xf32>, vector<16xf32>
    }
    %scan3A_433 = arith.constant 112 : i32
    %swap3A_434 = arith.constant 0 : index
    %swap3A_435 = tpu.vector_load %arg11[%swap3A_434] {strides = array<i32>} : memref<768xf32, #tpu.memory_space<vmem>>, vector<16xf32>,
    tpu.vector_store %arg11[%swap3A_434], %scan3A_432#0 {strides = array<i32>} : memref<768xf32, #tpu.memory_space<vmem>>, vector<16xf32>,
    %swap3A_436 = arith.constant 16 : index
    %swap3A_437 = tpu.vector_load %arg11[%swap3A_436] {strides = array<i32>} : memref<768xf32, #tpu.memory_space<vmem>>, vector<16xf32>,
    tpu.vector_store %arg11[%swap3A_436], %scan3A_432#1 {strides = array<i32>} : memref<768xf32, #tpu.memory_space<vmem>>, vector<16xf32>,
    %swap3A_438 = arith.constant 32 : index
    %swap3A_439 = tpu.vector_load %arg11[%swap3A_438] {strides = array<i32>} : memref<768xf32, #tpu.memory_space<vmem>>, vector<16xf32>,
    tpu.vector_store %arg11[%swap3A_438], %scan3A_432#2 {strides = array<i32>} : memref<768xf32, #tpu.memory_space<vmem>>, vector<16xf32>,
    %swap3A_440 = arith.constant 48 : index
    %swap3A_441 = tpu.vector_load %arg11[%swap3A_440] {strides = array<i32>} : memref<768xf32, #tpu.memory_space<vmem>>, vector<16xf32>,
    tpu.vector_store %arg11[%swap3A_440], %scan3A_432#3 {strides = array<i32>} : memref<768xf32, #tpu.memory_space<vmem>>, vector<16xf32>,
    %swap3A_442 = arith.constant 64 : index
    %swap3A_443 = tpu.vector_load %arg11[%swap3A_442] {strides = array<i32>} : memref<768xf32, #tpu.memory_space<vmem>>, vector<16xf32>,
    tpu.vector_store %arg11[%swap3A_442], %scan3A_432#4 {strides = array<i32>} : memref<768xf32, #tpu.memory_space<vmem>>, vector<16xf32>,
    %swap3A_444 = arith.constant 80 : index
    %swap3A_445 = tpu.vector_load %arg11[%swap3A_444] {strides = array<i32>} : memref<768xf32, #tpu.memory_space<vmem>>, vector<16xf32>,
    tpu.vector_store %arg11[%swap3A_444], %scan3A_432#5 {strides = array<i32>} : memref<768xf32, #tpu.memory_space<vmem>>, vector<16xf32>,
    %swap3A_446 = arith.constant 96 : index
    %swap3A_447 = tpu.vector_load %arg11[%swap3A_446] {strides = array<i32>} : memref<768xf32, #tpu.memory_space<vmem>>, vector<16xf32>,
    tpu.vector_store %arg11[%swap3A_446], %scan3A_432#6 {strides = array<i32>} : memref<768xf32, #tpu.memory_space<vmem>>, vector<16xf32>,
    %swap3A_448 = arith.constant 112 : index
    %swap3A_449 = tpu.vector_load %arg11[%swap3A_448] {strides = array<i32>} : memref<768xf32, #tpu.memory_space<vmem>>, vector<16xf32>,
    tpu.vector_store %arg11[%swap3A_448], %scan3A_432#7 {strides = array<i32>} : memref<768xf32, #tpu.memory_space<vmem>>, vector<16xf32>,
    %swap3A_450 = arith.constant 128 : index
    %swap3A_451 = tpu.vector_load %arg11[%swap3A_450] {strides = array<i32>} : memref<768xf32, #tpu.memory_space<vmem>>, vector<16xf32>,
    tpu.vector_store %arg11[%swap3A_450], %scan3A_432#8 {strides = array<i32>} : memref<768xf32, #tpu.memory_space<vmem>>, vector<16xf32>,
    %swap3A_452 = arith.constant 144 : index
    %swap3A_453 = tpu.vector_load %arg11[%swap3A_452] {strides = array<i32>} : memref<768xf32, #tpu.memory_space<vmem>>, vector<16xf32>,
    tpu.vector_store %arg11[%swap3A_452], %scan3A_432#9 {strides = array<i32>} : memref<768xf32, #tpu.memory_space<vmem>>, vector<16xf32>,
    %swap3A_454 = arith.constant 160 : index
    %swap3A_455 = tpu.vector_load %arg11[%swap3A_454] {strides = array<i32>} : memref<768xf32, #tpu.memory_space<vmem>>, vector<16xf32>,
    tpu.vector_store %arg11[%swap3A_454], %scan3A_432#10 {strides = array<i32>} : memref<768xf32, #tpu.memory_space<vmem>>, vector<16xf32>,
    %swap3A_456 = arith.constant 176 : index
    %swap3A_457 = tpu.vector_load %arg11[%swap3A_456] {strides = array<i32>} : memref<768xf32, #tpu.memory_space<vmem>>, vector<16xf32>,
    tpu.vector_store %arg11[%swap3A_456], %scan3A_432#11 {strides = array<i32>} : memref<768xf32, #tpu.memory_space<vmem>>, vector<16xf32>,
    %swap3A_458 = arith.constant 192 : index
    %swap3A_459 = tpu.vector_load %arg11[%swap3A_458] {strides = array<i32>} : memref<768xf32, #tpu.memory_space<vmem>>, vector<16xf32>,
    tpu.vector_store %arg11[%swap3A_458], %scan3A_432#12 {strides = array<i32>} : memref<768xf32, #tpu.memory_space<vmem>>, vector<16xf32>,
    %swap3A_460 = arith.constant 208 : index
    %swap3A_461 = tpu.vector_load %arg11[%swap3A_460] {strides = array<i32>} : memref<768xf32, #tpu.memory_space<vmem>>, vector<16xf32>,
    tpu.vector_store %arg11[%swap3A_460], %scan3A_432#13 {strides = array<i32>} : memref<768xf32, #tpu.memory_space<vmem>>, vector<16xf32>,
    %swap3A_462 = arith.constant 224 : index
    %swap3A_463 = tpu.vector_load %arg11[%swap3A_462] {strides = array<i32>} : memref<768xf32, #tpu.memory_space<vmem>>, vector<16xf32>,
    tpu.vector_store %arg11[%swap3A_462], %scan3A_432#14 {strides = array<i32>} : memref<768xf32, #tpu.memory_space<vmem>>, vector<16xf32>,
    %swap3A_464 = arith.constant 240 : index
    %swap3A_465 = tpu.vector_load %arg11[%swap3A_464] {strides = array<i32>} : memref<768xf32, #tpu.memory_space<vmem>>, vector<16xf32>,
    tpu.vector_store %arg11[%swap3A_464], %scan3A_432#15 {strides = array<i32>} : memref<768xf32, #tpu.memory_space<vmem>>, vector<16xf32>,
    %swap3A_466 = arith.constant 256 : index
    %swap3A_467 = tpu.vector_load %arg11[%swap3A_466] {strides = array<i32>} : memref<768xf32, #tpu.memory_space<vmem>>, vector<16xf32>,
    tpu.vector_store %arg11[%swap3A_466], %scan3A_432#16 {strides = array<i32>} : memref<768xf32, #tpu.memory_space<vmem>>, vector<16xf32>,
    %swap3A_468 = arith.constant 272 : index
    %swap3A_469 = tpu.vector_load %arg11[%swap3A_468] {strides = array<i32>} : memref<768xf32, #tpu.memory_space<vmem>>, vector<16xf32>,
    tpu.vector_store %arg11[%swap3A_468], %scan3A_432#17 {strides = array<i32>} : memref<768xf32, #tpu.memory_space<vmem>>, vector<16xf32>,
    %swap3A_470 = arith.constant 288 : index
    %swap3A_471 = tpu.vector_load %arg11[%swap3A_470] {strides = array<i32>} : memref<768xf32, #tpu.memory_space<vmem>>, vector<16xf32>,
    tpu.vector_store %arg11[%swap3A_470], %scan3A_432#18 {strides = array<i32>} : memref<768xf32, #tpu.memory_space<vmem>>, vector<16xf32>,
    %swap3A_472 = arith.constant 304 : index
    %swap3A_473 = tpu.vector_load %arg11[%swap3A_472] {strides = array<i32>} : memref<768xf32, #tpu.memory_space<vmem>>, vector<16xf32>,
    tpu.vector_store %arg11[%swap3A_472], %scan3A_432#19 {strides = array<i32>} : memref<768xf32, #tpu.memory_space<vmem>>, vector<16xf32>,
    %swap3A_474 = arith.constant 320 : index
    %swap3A_475 = tpu.vector_load %arg11[%swap3A_474] {strides = array<i32>} : memref<768xf32, #tpu.memory_space<vmem>>, vector<16xf32>,
    tpu.vector_store %arg11[%swap3A_474], %scan3A_432#20 {strides = array<i32>} : memref<768xf32, #tpu.memory_space<vmem>>, vector<16xf32>,
    %swap3A_476 = arith.constant 336 : index
    %swap3A_477 = tpu.vector_load %arg11[%swap3A_476] {strides = array<i32>} : memref<768xf32, #tpu.memory_space<vmem>>, vector<16xf32>,
    tpu.vector_store %arg11[%swap3A_476], %scan3A_432#21 {strides = array<i32>} : memref<768xf32, #tpu.memory_space<vmem>>, vector<16xf32>,
    %swap3A_478 = arith.constant 352 : index
    %swap3A_479 = tpu.vector_load %arg11[%swap3A_478] {strides = array<i32>} : memref<768xf32, #tpu.memory_space<vmem>>, vector<16xf32>,
    tpu.vector_store %arg11[%swap3A_478], %scan3A_432#22 {strides = array<i32>} : memref<768xf32, #tpu.memory_space<vmem>>, vector<16xf32>,
    %swap3A_480 = arith.constant 368 : index
    %swap3A_481 = tpu.vector_load %arg11[%swap3A_480] {strides = array<i32>} : memref<768xf32, #tpu.memory_space<vmem>>, vector<16xf32>,
    tpu.vector_store %arg11[%swap3A_480], %scan3A_432#23 {strides = array<i32>} : memref<768xf32, #tpu.memory_space<vmem>>, vector<16xf32>,
    %broadcast_in_dim3A_482 = arith.constant 0.000000e+00 : f32
    %broadcast_in_dim3A_483 = vector.broadcast %broadcast_in_dim3A_482 : f32 to vector<16xf32>
    %broadcast_in_dim3A_484 = arith.constant 0.000000e+00 : f32
    %broadcast_in_dim3A_485 = vector.broadcast %broadcast_in_dim3A_484 : f32 to vector<16xf32>
    %broadcast_in_dim3A_486 = arith.constant 0.000000e+00 : f32
    %broadcast_in_dim3A_487 = vector.broadcast %broadcast_in_dim3A_486 : f32 to vector<16xf32>
    %broadcast_in_dim3A_488 = arith.constant 0.000000e+00 : f32
    %broadcast_in_dim3A_489 = vector.broadcast %broadcast_in_dim3A_488 : f32 to vector<16xf32>
    %broadcast_in_dim3A_490 = arith.constant 0.000000e+00 : f32
    %broadcast_in_dim3A_491 = vector.broadcast %broadcast_in_dim3A_490 : f32 to vector<16xf32>
    %broadcast_in_dim3A_492 = arith.constant 0.000000e+00 : f32
    %broadcast_in_dim3A_493 = vector.broadcast %broadcast_in_dim3A_492 : f32 to vector<16xf32>
    %broadcast_in_dim3A_494 = arith.constant 0.000000e+00 : f32
    %broadcast_in_dim3A_495 = vector.broadcast %broadcast_in_dim3A_494 : f32 to vector<16xf32>
    %broadcast_in_dim3A_496 = arith.constant 0.000000e+00 : f32
    %broadcast_in_dim3A_497 = vector.broadcast %broadcast_in_dim3A_496 : f32 to vector<16xf32>
    %broadcast_in_dim3A_498 = arith.constant 0.000000e+00 : f32
    %broadcast_in_dim3A_499 = vector.broadcast %broadcast_in_dim3A_498 : f32 to vector<16xf32>
    %broadcast_in_dim3A_500 = arith.constant 0.000000e+00 : f32
    %broadcast_in_dim3A_501 = vector.broadcast %broadcast_in_dim3A_500 : f32 to vector<16xf32>
    %broadcast_in_dim3A_502 = arith.constant 0.000000e+00 : f32
    %broadcast_in_dim3A_503 = vector.broadcast %broadcast_in_dim3A_502 : f32 to vector<16xf32>
    %broadcast_in_dim3A_504 = arith.constant 0.000000e+00 : f32
    %broadcast_in_dim3A_505 = vector.broadcast %broadcast_in_dim3A_504 : f32 to vector<16xf32>
    %broadcast_in_dim3A_506 = arith.constant 0.000000e+00 : f32
    %broadcast_in_dim3A_507 = vector.broadcast %broadcast_in_dim3A_506 : f32 to vector<16xf32>
    %broadcast_in_dim3A_508 = arith.constant 0.000000e+00 : f32
    %broadcast_in_dim3A_509 = vector.broadcast %broadcast_in_dim3A_508 : f32 to vector<16xf32>
    %broadcast_in_dim3A_510 = arith.constant 0.000000e+00 : f32
    %broadcast_in_dim3A_511 = vector.broadcast %broadcast_in_dim3A_510 : f32 to vector<16xf32>
    %broadcast_in_dim3A_512 = arith.constant 0.000000e+00 : f32
    %broadcast_in_dim3A_513 = vector.broadcast %broadcast_in_dim3A_512 : f32 to vector<16xf32>
    %broadcast_in_dim3A_514 = arith.constant 0.000000e+00 : f32
    %broadcast_in_dim3A_515 = vector.broadcast %broadcast_in_dim3A_514 : f32 to vector<16xf32>
    %broadcast_in_dim3A_516 = arith.constant 0.000000e+00 : f32
    %broadcast_in_dim3A_517 = vector.broadcast %broadcast_in_dim3A_516 : f32 to vector<16xf32>
    %broadcast_in_dim3A_518 = arith.constant 0.000000e+00 : f32
    %broadcast_in_dim3A_519 = vector.broadcast %broadcast_in_dim3A_518 : f32 to vector<16xf32>
    %broadcast_in_dim3A_520 = arith.constant 0.000000e+00 : f32
    %broadcast_in_dim3A_521 = vector.broadcast %broadcast_in_dim3A_520 : f32 to vector<16xf32>
    %broadcast_in_dim3A_522 = arith.constant 0.000000e+00 : f32
    %broadcast_in_dim3A_523 = vector.broadcast %broadcast_in_dim3A_522 : f32 to vector<16xf32>
    %broadcast_in_dim3A_524 = arith.constant 0.000000e+00 : f32
    %broadcast_in_dim3A_525 = vector.broadcast %broadcast_in_dim3A_524 : f32 to vector<16xf32>
    %broadcast_in_dim3A_526 = arith.constant 0.000000e+00 : f32
    %broadcast_in_dim3A_527 = vector.broadcast %broadcast_in_dim3A_526 : f32 to vector<16xf32>
    %broadcast_in_dim3A_528 = arith.constant 0.000000e+00 : f32
    %broadcast_in_dim3A_529 = vector.broadcast %broadcast_in_dim3A_528 : f32 to vector<16xf32>
    %scan3A_530 = arith.constant 0 : i32
    %scan3A_531 = arith.constant 112 : i32
    %scan3A_532 = arith.addi %scan3A_530, %scan3A_531 : i32
    %scan3A_533 = arith.constant 1 : i32
    %scan3A_534:24 = scf.for %scan3A_589 = %scan3A_530 to %scan3A_532 step %scan3A_533 iter_args(%scan3A_590 = %broadcast_in_dim3A_483, %scan3A_591 = %broadcast_in_dim3A_485, %scan3A_592 = %broadcast_in_dim3A_487, %scan3A_593 = %broadcast_in_dim3A_489, %scan3A_594 = %broadcast_in_dim3A_491, %scan3A_595 = %broadcast_in_dim3A_493, %scan3A_596 = %broadcast_in_dim3A_495, %scan3A_597 = %broadcast_in_dim3A_497, %scan3A_598 = %broadcast_in_dim3A_499, %scan3A_599 = %broadcast_in_dim3A_501, %scan3A_600 = %broadcast_in_dim3A_503, %scan3A_601 = %broadcast_in_dim3A_505, %scan3A_602 = %broadcast_in_dim3A_507, %scan3A_603 = %broadcast_in_dim3A_509, %scan3A_604 = %broadcast_in_dim3A_511, %scan3A_605 = %broadcast_in_dim3A_513, %scan3A_606 = %broadcast_in_dim3A_515, %scan3A_607 = %broadcast_in_dim3A_517, %scan3A_608 = %broadcast_in_dim3A_519, %scan3A_609 = %broadcast_in_dim3A_521, %scan3A_610 = %broadcast_in_dim3A_523, %scan3A_611 = %broadcast_in_dim3A_525, %scan3A_612 = %broadcast_in_dim3A_527, %scan3A_613 = %broadcast_in_dim3A_529) -> (vector<16xf32>, vector<16xf32>, vector<16xf32>, vector<16xf32>, vector<16xf32>, vector<16xf32>, vector<16xf32>, vector<16xf32>, vector<16xf32>, vector<16xf32>, vector<16xf32>, vector<16xf32>, vector<16xf32>, vector<16xf32>, vector<16xf32>, vector<16xf32>, vector<16xf32>, vector<16xf32>, vector<16xf32>, vector<16xf32>, vector<16xf32>, vector<16xf32>, vector<16xf32>, vector<16xf32>)  : i32 {
      %broadcast_in_dim3A_614 = vector.broadcast %scan3A_589 : i32 to vector<16xi32>
      %gather3A_615 = tpu.vector_load_idx %arg9[%broadcast_in_dim3A_614] : memref<112xf32, #tpu.memory_space<vmem>>[vector<16xi32>], vector<16xf32>,
      %get3A_616 = arith.index_cast %scan3A_589 : i32 to index
      %get3A_617 = arith.constant 384 : index
      %get3A_618 = tpu.vector_load %arg10[%get3A_616, %get3A_617] {strides = array<i32>} : memref<112x768xf32, #tpu.memory_space<vmem>>, vector<16xf32>,
      %mul3A_619 = arith.mulf %gather3A_615, %get3A_618 : vector<16xf32>
      %add3A_620 = arith.addf %scan3A_590, %mul3A_619 : vector<16xf32>
      %get3A_621 = arith.index_cast %scan3A_589 : i32 to index
      %get3A_622 = arith.constant 400 : index
      %get3A_623 = tpu.vector_load %arg10[%get3A_621, %get3A_622] {strides = array<i32>} : memref<112x768xf32, #tpu.memory_space<vmem>>, vector<16xf32>,
      %mul3A_624 = arith.mulf %gather3A_615, %get3A_623 : vector<16xf32>
      %add3A_625 = arith.addf %scan3A_591, %mul3A_624 : vector<16xf32>
      %get3A_626 = arith.index_cast %scan3A_589 : i32 to index
      %get3A_627 = arith.constant 416 : index
      %get3A_628 = tpu.vector_load %arg10[%get3A_626, %get3A_627] {strides = array<i32>} : memref<112x768xf32, #tpu.memory_space<vmem>>, vector<16xf32>,
      %mul3A_629 = arith.mulf %gather3A_615, %get3A_628 : vector<16xf32>
      %add3A_630 = arith.addf %scan3A_592, %mul3A_629 : vector<16xf32>
      %get3A_631 = arith.index_cast %scan3A_589 : i32 to index
      %get3A_632 = arith.constant 432 : index
      %get3A_633 = tpu.vector_load %arg10[%get3A_631, %get3A_632] {strides = array<i32>} : memref<112x768xf32, #tpu.memory_space<vmem>>, vector<16xf32>,
      %mul3A_634 = arith.mulf %gather3A_615, %get3A_633 : vector<16xf32>
      %add3A_635 = arith.addf %scan3A_593, %mul3A_634 : vector<16xf32>
      %get3A_636 = arith.index_cast %scan3A_589 : i32 to index
      %get3A_637 = arith.constant 448 : index
      %get3A_638 = tpu.vector_load %arg10[%get3A_636, %get3A_637] {strides = array<i32>} : memref<112x768xf32, #tpu.memory_space<vmem>>, vector<16xf32>,
      %mul3A_639 = arith.mulf %gather3A_615, %get3A_638 : vector<16xf32>
      %add3A_640 = arith.addf %scan3A_594, %mul3A_639 : vector<16xf32>
      %get3A_641 = arith.index_cast %scan3A_589 : i32 to index
      %get3A_642 = arith.constant 464 : index
      %get3A_643 = tpu.vector_load %arg10[%get3A_641, %get3A_642] {strides = array<i32>} : memref<112x768xf32, #tpu.memory_space<vmem>>, vector<16xf32>,
      %mul3A_644 = arith.mulf %gather3A_615, %get3A_643 : vector<16xf32>
      %add3A_645 = arith.addf %scan3A_595, %mul3A_644 : vector<16xf32>
      %get3A_646 = arith.index_cast %scan3A_589 : i32 to index
      %get3A_647 = arith.constant 480 : index
      %get3A_648 = tpu.vector_load %arg10[%get3A_646, %get3A_647] {strides = array<i32>} : memref<112x768xf32, #tpu.memory_space<vmem>>, vector<16xf32>,
      %mul3A_649 = arith.mulf %gather3A_615, %get3A_648 : vector<16xf32>
      %add3A_650 = arith.addf %scan3A_596, %mul3A_649 : vector<16xf32>
      %get3A_651 = arith.index_cast %scan3A_589 : i32 to index
      %get3A_652 = arith.constant 496 : index
      %get3A_653 = tpu.vector_load %arg10[%get3A_651, %get3A_652] {strides = array<i32>} : memref<112x768xf32, #tpu.memory_space<vmem>>, vector<16xf32>,
      %mul3A_654 = arith.mulf %gather3A_615, %get3A_653 : vector<16xf32>
      %add3A_655 = arith.addf %scan3A_597, %mul3A_654 : vector<16xf32>
      %get3A_656 = arith.index_cast %scan3A_589 : i32 to index
      %get3A_657 = arith.constant 512 : index
      %get3A_658 = tpu.vector_load %arg10[%get3A_656, %get3A_657] {strides = array<i32>} : memref<112x768xf32, #tpu.memory_space<vmem>>, vector<16xf32>,
      %mul3A_659 = arith.mulf %gather3A_615, %get3A_658 : vector<16xf32>
      %add3A_660 = arith.addf %scan3A_598, %mul3A_659 : vector<16xf32>
      %get3A_661 = arith.index_cast %scan3A_589 : i32 to index
      %get3A_662 = arith.constant 528 : index
      %get3A_663 = tpu.vector_load %arg10[%get3A_661, %get3A_662] {strides = array<i32>} : memref<112x768xf32, #tpu.memory_space<vmem>>, vector<16xf32>,
      %mul3A_664 = arith.mulf %gather3A_615, %get3A_663 : vector<16xf32>
      %add3A_665 = arith.addf %scan3A_599, %mul3A_664 : vector<16xf32>
      %get3A_666 = arith.index_cast %scan3A_589 : i32 to index
      %get3A_667 = arith.constant 544 : index
      %get3A_668 = tpu.vector_load %arg10[%get3A_666, %get3A_667] {strides = array<i32>} : memref<112x768xf32, #tpu.memory_space<vmem>>, vector<16xf32>,
      %mul3A_669 = arith.mulf %gather3A_615, %get3A_668 : vector<16xf32>
      %add3A_670 = arith.addf %scan3A_600, %mul3A_669 : vector<16xf32>
      %get3A_671 = arith.index_cast %scan3A_589 : i32 to index
      %get3A_672 = arith.constant 560 : index
      %get3A_673 = tpu.vector_load %arg10[%get3A_671, %get3A_672] {strides = array<i32>} : memref<112x768xf32, #tpu.memory_space<vmem>>, vector<16xf32>,
      %mul3A_674 = arith.mulf %gather3A_615, %get3A_673 : vector<16xf32>
      %add3A_675 = arith.addf %scan3A_601, %mul3A_674 : vector<16xf32>
      %get3A_676 = arith.index_cast %scan3A_589 : i32 to index
      %get3A_677 = arith.constant 576 : index
      %get3A_678 = tpu.vector_load %arg10[%get3A_676, %get3A_677] {strides = array<i32>} : memref<112x768xf32, #tpu.memory_space<vmem>>, vector<16xf32>,
      %mul3A_679 = arith.mulf %gather3A_615, %get3A_678 : vector<16xf32>
      %add3A_680 = arith.addf %scan3A_602, %mul3A_679 : vector<16xf32>
      %get3A_681 = arith.index_cast %scan3A_589 : i32 to index
      %get3A_682 = arith.constant 592 : index
      %get3A_683 = tpu.vector_load %arg10[%get3A_681, %get3A_682] {strides = array<i32>} : memref<112x768xf32, #tpu.memory_space<vmem>>, vector<16xf32>,
      %mul3A_684 = arith.mulf %gather3A_615, %get3A_683 : vector<16xf32>
      %add3A_685 = arith.addf %scan3A_603, %mul3A_684 : vector<16xf32>
      %get3A_686 = arith.index_cast %scan3A_589 : i32 to index
      %get3A_687 = arith.constant 608 : index
      %get3A_688 = tpu.vector_load %arg10[%get3A_686, %get3A_687] {strides = array<i32>} : memref<112x768xf32, #tpu.memory_space<vmem>>, vector<16xf32>,
      %mul3A_689 = arith.mulf %gather3A_615, %get3A_688 : vector<16xf32>
      %add3A_690 = arith.addf %scan3A_604, %mul3A_689 : vector<16xf32>
      %get3A_691 = arith.index_cast %scan3A_589 : i32 to index
      %get3A_692 = arith.constant 624 : index
      %get3A_693 = tpu.vector_load %arg10[%get3A_691, %get3A_692] {strides = array<i32>} : memref<112x768xf32, #tpu.memory_space<vmem>>, vector<16xf32>,
      %mul3A_694 = arith.mulf %gather3A_615, %get3A_693 : vector<16xf32>
      %add3A_695 = arith.addf %scan3A_605, %mul3A_694 : vector<16xf32>
      %get3A_696 = arith.index_cast %scan3A_589 : i32 to index
      %get3A_697 = arith.constant 640 : index
      %get3A_698 = tpu.vector_load %arg10[%get3A_696, %get3A_697] {strides = array<i32>} : memref<112x768xf32, #tpu.memory_space<vmem>>, vector<16xf32>,
      %mul3A_699 = arith.mulf %gather3A_615, %get3A_698 : vector<16xf32>
      %add3A_700 = arith.addf %scan3A_606, %mul3A_699 : vector<16xf32>
      %get3A_701 = arith.index_cast %scan3A_589 : i32 to index
      %get3A_702 = arith.constant 656 : index
      %get3A_703 = tpu.vector_load %arg10[%get3A_701, %get3A_702] {strides = array<i32>} : memref<112x768xf32, #tpu.memory_space<vmem>>, vector<16xf32>,
      %mul3A_704 = arith.mulf %gather3A_615, %get3A_703 : vector<16xf32>
      %add3A_705 = arith.addf %scan3A_607, %mul3A_704 : vector<16xf32>
      %get3A_706 = arith.index_cast %scan3A_589 : i32 to index
      %get3A_707 = arith.constant 672 : index
      %get3A_708 = tpu.vector_load %arg10[%get3A_706, %get3A_707] {strides = array<i32>} : memref<112x768xf32, #tpu.memory_space<vmem>>, vector<16xf32>,
      %mul3A_709 = arith.mulf %gather3A_615, %get3A_708 : vector<16xf32>
      %add3A_710 = arith.addf %scan3A_608, %mul3A_709 : vector<16xf32>
      %get3A_711 = arith.index_cast %scan3A_589 : i32 to index
      %get3A_712 = arith.constant 688 : index
      %get3A_713 = tpu.vector_load %arg10[%get3A_711, %get3A_712] {strides = array<i32>} : memref<112x768xf32, #tpu.memory_space<vmem>>, vector<16xf32>,
      %mul3A_714 = arith.mulf %gather3A_615, %get3A_713 : vector<16xf32>
      %add3A_715 = arith.addf %scan3A_609, %mul3A_714 : vector<16xf32>
      %get3A_716 = arith.index_cast %scan3A_589 : i32 to index
      %get3A_717 = arith.constant 704 : index
      %get3A_718 = tpu.vector_load %arg10[%get3A_716, %get3A_717] {strides = array<i32>} : memref<112x768xf32, #tpu.memory_space<vmem>>, vector<16xf32>,
      %mul3A_719 = arith.mulf %gather3A_615, %get3A_718 : vector<16xf32>
      %add3A_720 = arith.addf %scan3A_610, %mul3A_719 : vector<16xf32>
      %get3A_721 = arith.index_cast %scan3A_589 : i32 to index
      %get3A_722 = arith.constant 720 : index
      %get3A_723 = tpu.vector_load %arg10[%get3A_721, %get3A_722] {strides = array<i32>} : memref<112x768xf32, #tpu.memory_space<vmem>>, vector<16xf32>,
      %mul3A_724 = arith.mulf %gather3A_615, %get3A_723 : vector<16xf32>
      %add3A_725 = arith.addf %scan3A_611, %mul3A_724 : vector<16xf32>
      %get3A_726 = arith.index_cast %scan3A_589 : i32 to index
      %get3A_727 = arith.constant 736 : index
      %get3A_728 = tpu.vector_load %arg10[%get3A_726, %get3A_727] {strides = array<i32>} : memref<112x768xf32, #tpu.memory_space<vmem>>, vector<16xf32>,
      %mul3A_729 = arith.mulf %gather3A_615, %get3A_728 : vector<16xf32>
      %add3A_730 = arith.addf %scan3A_612, %mul3A_729 : vector<16xf32>
      %get3A_731 = arith.index_cast %scan3A_589 : i32 to index
      %get3A_732 = arith.constant 752 : index
      %get3A_733 = tpu.vector_load %arg10[%get3A_731, %get3A_732] {strides = array<i32>} : memref<112x768xf32, #tpu.memory_space<vmem>>, vector<16xf32>,
      %mul3A_734 = arith.mulf %gather3A_615, %get3A_733 : vector<16xf32>
      %add3A_735 = arith.addf %scan3A_613, %mul3A_734 : vector<16xf32>
      scf.yield %add3A_620, %add3A_625, %add3A_630, %add3A_635, %add3A_640, %add3A_645, %add3A_650, %add3A_655, %add3A_660, %add3A_665, %add3A_670, %add3A_675, %add3A_680, %add3A_685, %add3A_690, %add3A_695, %add3A_700, %add3A_705, %add3A_710, %add3A_715, %add3A_720, %add3A_725, %add3A_730, %add3A_735 : vector<16xf32>, vector<16xf32>, vector<16xf32>, vector<16xf32>, vector<16xf32>, vector<16xf32>, vector<16xf32>, vector<16xf32>, vector<16xf32>, vector<16xf32>, vector<16xf32>, vector<16xf32>, vector<16xf32>, vector<16xf32>, vector<16xf32>, vector<16xf32>, vector<16xf32>, vector<16xf32>, vector<16xf32>, vector<16xf32>, vector<16xf32>, vector<16xf32>, vector<16xf32>, vector<16xf32>
    }
    %scan3A_535 = arith.constant 112 : i32
    %swap3A_536 = arith.constant 384 : index
    %swap3A_537 = tpu.vector_load %arg11[%swap3A_536] {strides = array<i32>} : memref<768xf32, #tpu.memory_space<vmem>>, vector<16xf32>,
    tpu.vector_store %arg11[%swap3A_536], %scan3A_534#0 {strides = array<i32>} : memref<768xf32, #tpu.memory_space<vmem>>, vector<16xf32>,
    %swap3A_538 = arith.constant 400 : index
    %swap3A_539 = tpu.vector_load %arg11[%swap3A_538] {strides = array<i32>} : memref<768xf32, #tpu.memory_space<vmem>>, vector<16xf32>,
    tpu.vector_store %arg11[%swap3A_538], %scan3A_534#1 {strides = array<i32>} : memref<768xf32, #tpu.memory_space<vmem>>, vector<16xf32>,
    %swap3A_540 = arith.constant 416 : index
    %swap3A_541 = tpu.vector_load %arg11[%swap3A_540] {strides = array<i32>} : memref<768xf32, #tpu.memory_space<vmem>>, vector<16xf32>,
    tpu.vector_store %arg11[%swap3A_540], %scan3A_534#2 {strides = array<i32>} : memref<768xf32, #tpu.memory_space<vmem>>, vector<16xf32>,
    %swap3A_542 = arith.constant 432 : index
    %swap3A_543 = tpu.vector_load %arg11[%swap3A_542] {strides = array<i32>} : memref<768xf32, #tpu.memory_space<vmem>>, vector<16xf32>,
    tpu.vector_store %arg11[%swap3A_542], %scan3A_534#3 {strides = array<i32>} : memref<768xf32, #tpu.memory_space<vmem>>, vector<16xf32>,
    %swap3A_544 = arith.constant 448 : index
    %swap3A_545 = tpu.vector_load %arg11[%swap3A_544] {strides = array<i32>} : memref<768xf32, #tpu.memory_space<vmem>>, vector<16xf32>,
    tpu.vector_store %arg11[%swap3A_544], %scan3A_534#4 {strides = array<i32>} : memref<768xf32, #tpu.memory_space<vmem>>, vector<16xf32>,
    %swap3A_546 = arith.constant 464 : index
    %swap3A_547 = tpu.vector_load %arg11[%swap3A_546] {strides = array<i32>} : memref<768xf32, #tpu.memory_space<vmem>>, vector<16xf32>,
    tpu.vector_store %arg11[%swap3A_546], %scan3A_534#5 {strides = array<i32>} : memref<768xf32, #tpu.memory_space<vmem>>, vector<16xf32>,
    %swap3A_548 = arith.constant 480 : index
    %swap3A_549 = tpu.vector_load %arg11[%swap3A_548] {strides = array<i32>} : memref<768xf32, #tpu.memory_space<vmem>>, vector<16xf32>,
    tpu.vector_store %arg11[%swap3A_548], %scan3A_534#6 {strides = array<i32>} : memref<768xf32, #tpu.memory_space<vmem>>, vector<16xf32>,
    %swap3A_550 = arith.constant 496 : index
    %swap3A_551 = tpu.vector_load %arg11[%swap3A_550] {strides = array<i32>} : memref<768xf32, #tpu.memory_space<vmem>>, vector<16xf32>,
    tpu.vector_store %arg11[%swap3A_550], %scan3A_534#7 {strides = array<i32>} : memref<768xf32, #tpu.memory_space<vmem>>, vector<16xf32>,
    %swap3A_552 = arith.constant 512 : index
    %swap3A_553 = tpu.vector_load %arg11[%swap3A_552] {strides = array<i32>} : memref<768xf32, #tpu.memory_space<vmem>>, vector<16xf32>,
    tpu.vector_store %arg11[%swap3A_552], %scan3A_534#8 {strides = array<i32>} : memref<768xf32, #tpu.memory_space<vmem>>, vector<16xf32>,
    %swap3A_554 = arith.constant 528 : index
    %swap3A_555 = tpu.vector_load %arg11[%swap3A_554] {strides = array<i32>} : memref<768xf32, #tpu.memory_space<vmem>>, vector<16xf32>,
    tpu.vector_store %arg11[%swap3A_554], %scan3A_534#9 {strides = array<i32>} : memref<768xf32, #tpu.memory_space<vmem>>, vector<16xf32>,
    %swap3A_556 = arith.constant 544 : index
    %swap3A_557 = tpu.vector_load %arg11[%swap3A_556] {strides = array<i32>} : memref<768xf32, #tpu.memory_space<vmem>>, vector<16xf32>,
    tpu.vector_store %arg11[%swap3A_556], %scan3A_534#10 {strides = array<i32>} : memref<768xf32, #tpu.memory_space<vmem>>, vector<16xf32>,
    %swap3A_558 = arith.constant 560 : index
    %swap3A_559 = tpu.vector_load %arg11[%swap3A_558] {strides = array<i32>} : memref<768xf32, #tpu.memory_space<vmem>>, vector<16xf32>,
    tpu.vector_store %arg11[%swap3A_558], %scan3A_534#11 {strides = array<i32>} : memref<768xf32, #tpu.memory_space<vmem>>, vector<16xf32>,
    %swap3A_560 = arith.constant 576 : index
    %swap3A_561 = tpu.vector_load %arg11[%swap3A_560] {strides = array<i32>} : memref<768xf32, #tpu.memory_space<vmem>>, vector<16xf32>,
    tpu.vector_store %arg11[%swap3A_560], %scan3A_534#12 {strides = array<i32>} : memref<768xf32, #tpu.memory_space<vmem>>, vector<16xf32>,
    %swap3A_562 = arith.constant 592 : index
    %swap3A_563 = tpu.vector_load %arg11[%swap3A_562] {strides = array<i32>} : memref<768xf32, #tpu.memory_space<vmem>>, vector<16xf32>,
    tpu.vector_store %arg11[%swap3A_562], %scan3A_534#13 {strides = array<i32>} : memref<768xf32, #tpu.memory_space<vmem>>, vector<16xf32>,
    %swap3A_564 = arith.constant 608 : index
    %swap3A_565 = tpu.vector_load %arg11[%swap3A_564] {strides = array<i32>} : memref<768xf32, #tpu.memory_space<vmem>>, vector<16xf32>,
    tpu.vector_store %arg11[%swap3A_564], %scan3A_534#14 {strides = array<i32>} : memref<768xf32, #tpu.memory_space<vmem>>, vector<16xf32>,
    %swap3A_566 = arith.constant 624 : index
    %swap3A_567 = tpu.vector_load %arg11[%swap3A_566] {strides = array<i32>} : memref<768xf32, #tpu.memory_space<vmem>>, vector<16xf32>,
    tpu.vector_store %arg11[%swap3A_566], %scan3A_534#15 {strides = array<i32>} : memref<768xf32, #tpu.memory_space<vmem>>, vector<16xf32>,
    %swap3A_568 = arith.constant 640 : index
    %swap3A_569 = tpu.vector_load %arg11[%swap3A_568] {strides = array<i32>} : memref<768xf32, #tpu.memory_space<vmem>>, vector<16xf32>,
    tpu.vector_store %arg11[%swap3A_568], %scan3A_534#16 {strides = array<i32>} : memref<768xf32, #tpu.memory_space<vmem>>, vector<16xf32>,
    %swap3A_570 = arith.constant 656 : index
    %swap3A_571 = tpu.vector_load %arg11[%swap3A_570] {strides = array<i32>} : memref<768xf32, #tpu.memory_space<vmem>>, vector<16xf32>,
    tpu.vector_store %arg11[%swap3A_570], %scan3A_534#17 {strides = array<i32>} : memref<768xf32, #tpu.memory_space<vmem>>, vector<16xf32>,
    %swap3A_572 = arith.constant 672 : index
    %swap3A_573 = tpu.vector_load %arg11[%swap3A_572] {strides = array<i32>} : memref<768xf32, #tpu.memory_space<vmem>>, vector<16xf32>,
    tpu.vector_store %arg11[%swap3A_572], %scan3A_534#18 {strides = array<i32>} : memref<768xf32, #tpu.memory_space<vmem>>, vector<16xf32>,
    %swap3A_574 = arith.constant 688 : index
    %swap3A_575 = tpu.vector_load %arg11[%swap3A_574] {strides = array<i32>} : memref<768xf32, #tpu.memory_space<vmem>>, vector<16xf32>,
    tpu.vector_store %arg11[%swap3A_574], %scan3A_534#19 {strides = array<i32>} : memref<768xf32, #tpu.memory_space<vmem>>, vector<16xf32>,
    %swap3A_576 = arith.constant 704 : index
    %swap3A_577 = tpu.vector_load %arg11[%swap3A_576] {strides = array<i32>} : memref<768xf32, #tpu.memory_space<vmem>>, vector<16xf32>,
    tpu.vector_store %arg11[%swap3A_576], %scan3A_534#20 {strides = array<i32>} : memref<768xf32, #tpu.memory_space<vmem>>, vector<16xf32>,
    %swap3A_578 = arith.constant 720 : index
    %swap3A_579 = tpu.vector_load %arg11[%swap3A_578] {strides = array<i32>} : memref<768xf32, #tpu.memory_space<vmem>>, vector<16xf32>,
    tpu.vector_store %arg11[%swap3A_578], %scan3A_534#21 {strides = array<i32>} : memref<768xf32, #tpu.memory_space<vmem>>, vector<16xf32>,
    %swap3A_580 = arith.constant 736 : index
    %swap3A_581 = tpu.vector_load %arg11[%swap3A_580] {strides = array<i32>} : memref<768xf32, #tpu.memory_space<vmem>>, vector<16xf32>,
    tpu.vector_store %arg11[%swap3A_580], %scan3A_534#22 {strides = array<i32>} : memref<768xf32, #tpu.memory_space<vmem>>, vector<16xf32>,
    %swap3A_582 = arith.constant 752 : index
    %swap3A_583 = tpu.vector_load %arg11[%swap3A_582] {strides = array<i32>} : memref<768xf32, #tpu.memory_space<vmem>>, vector<16xf32>,
    tpu.vector_store %arg11[%swap3A_582], %scan3A_534#23 {strides = array<i32>} : memref<768xf32, #tpu.memory_space<vmem>>, vector<16xf32>,
    %mul3A_584 = arith.constant 16 : i32
    %mul3A_585 = arith.muli %arg0, %mul3A_584 : i32
    %add3A_586 = arith.addi %mul3A_585, %arg1 : i32
    %mul3A_587 = arith.constant 768 : i32
    %mul3A_588 = arith.muli %add3A_586, %mul3A_587 : i32
    "tpu.region"() ({
      %run_scoped3A = tpu.sem_alloc : memref<!tpu.dma_semaphore, #tpu.memory_space<semaphore_mem>>
      %dma_start3A_589 = tpu.memref_slice %arg5[%mul3A_588] : memref<24576xf32, #tpu.memory_space<hbm>> -> memref<768xf32, #tpu.memory_space<hbm>>
      %dma_start3A_590 = tpu.memref_slice %arg5[%mul3A_588] : memref<24576xf32, #tpu.memory_space<hbm>> -> memref<768xf32, #tpu.memory_space<hbm>>
      tpu.enqueue_dma source(%arg11 : memref<768xf32, #tpu.memory_space<vmem>>) target(%dma_start3A_590 : memref<768xf32, #tpu.memory_space<hbm>>) target_semaphore(%run_scoped3A : memref<!tpu.dma_semaphore, #tpu.memory_space<semaphore_mem>>)
      %dma_wait3A_591 = tpu.memref_slice %arg5[%mul3A_588] : memref<24576xf32, #tpu.memory_space<hbm>> -> memref<768xf32, #tpu.memory_space<hbm>>
      %dma_wait3A_592 = tpu.memref_slice %arg5[%mul3A_588] : memref<24576xf32, #tpu.memory_space<hbm>> -> memref<768xf32, #tpu.memory_space<hbm>>
      tpu.wait_dma2 semaphore(%run_scoped3A : memref<!tpu.dma_semaphore, #tpu.memory_space<semaphore_mem>>) src(%arg11 : memref<768xf32, #tpu.memory_space<vmem>>) dst(%dma_wait3A_592 : memref<768xf32, #tpu.memory_space<hbm>>)
      tpu.yield
    }) : () -> ()
    return
  }
}

module attributes {stable_mosaic.version = 14 : i64} {
  func.func @_tc_body(%arg0: memref<16x768xf32, #tpu.memory_space<vmem>>, %arg1: memref<16x768xf32, #tpu.memory_space<vmem>>, %arg2: memref<16x200x768xf32, #tpu.memory_space<vmem>>, %arg3: memref<16x200x768xf32, #tpu.memory_space<vmem>>, %arg4: memref<16x200xf32, #tpu.memory_space<vmem>>, %arg5: memref<768x768xf32, #tpu.memory_space<vmem>>, %arg6: memref<2x768xf32, #tpu.memory_space<vmem>>, %arg7: memref<768x768xf32, #tpu.memory_space<vmem>>, %arg8: memref<2x768xf32, #tpu.memory_space<vmem>>, %arg9: memref<1536x2xf32, #tpu.memory_space<vmem>>, %arg10: memref<1x2xf32, #tpu.memory_space<vmem>>, %arg11: memref<16x2xf32, #tpu.memory_space<vmem>>) attributes {dimension_semantics = [], scalar_prefetch = 0 : i64, scratch_operands = 0 : i64, tpu.core_type = #tpu.core_type<tc>} {
    %get3A = arith.constant 0 : index
    %get3A_0 = arith.constant 0 : index
    %get3A_1 = vector.load %arg4[%get3A, %get3A_0] : memref<16x200xf32, #tpu.memory_space<vmem>>, vector<16x200xf32>
    %gt3A = arith.constant 5.000000e-01 : f32
    %gt3A_2 = vector.broadcast %gt3A : f32 to vector<16x200xf32>
    %gt3A_3 = arith.cmpf ogt, %get3A_1, %gt3A_2 : vector<16x200xf32>
    %convert_element_type3A = arith.extui %gt3A_3 : vector<16x200xi1> to vector<16x200xi32>
    %convert_element_type3A_4 = arith.sitofp %convert_element_type3A : vector<16x200xi32> to vector<16x200xf32>
    %reduce_sum3A = arith.constant dense<0.000000e+00> : vector<16xf32>
    %reduce_sum3A_5 = vector.multi_reduction <add>, %convert_element_type3A_4, %reduce_sum3A [1] : vector<16x200xf32> to vector<16xf32>
    %broadcast_in_dim3A = vector.shape_cast %reduce_sum3A_5 : vector<16xf32> to vector<16x1xf32>
    %iota3A = tpu.iota {dimensions = array<i32: 0>} : vector<16x1xi32>
    %eq3A = arith.constant 15 : i32
    %eq3A_6 = vector.broadcast %eq3A : i32 to vector<16x1xi32>
    %eq3A_7 = arith.cmpi eq, %iota3A, %eq3A_6 : vector<16x1xi32>
    %sub3A = arith.constant 2.000000e+02 : f32
    %sub3A_8 = vector.broadcast %sub3A : f32 to vector<16x1xf32>
    %sub3A_9 = arith.subf %sub3A_8, %broadcast_in_dim3A : vector<16x1xf32>
    %jit3A = arith.constant 0.000000e+00 : f32
    %broadcast_in_dim3A_10 = vector.broadcast %jit3A : f32 to vector<16x1xf32>
    %select_n3A = arith.select %eq3A_7, %broadcast_in_dim3A_10, %sub3A_9 : vector<16x1xi1>, vector<16x1xf32>
    %get3A_11 = arith.constant 0 : index
    %get3A_12 = arith.constant 0 : index
    %get3A_13 = vector.load %arg0[%get3A_11, %get3A_12] : memref<16x768xf32, #tpu.memory_space<vmem>>, vector<16x768xf32>
    %get3A_14 = arith.constant 0 : index
    %get3A_15 = arith.constant 0 : index
    %get3A_16 = arith.constant 0 : index
    %get3A_17 = vector.load %arg2[%get3A_14, %get3A_15, %get3A_16] : memref<16x200x768xf32, #tpu.memory_space<vmem>>, vector<16x200x768xf32>
    %get3A_18 = arith.constant 0 : index
    %get3A_19 = arith.constant 0 : index
    %get3A_20 = vector.load %arg5[%get3A_18, %get3A_19] : memref<768x768xf32, #tpu.memory_space<vmem>>, vector<768x768xf32>
    %get3A_21 = arith.constant 0 : index
    %get3A_22 = arith.constant 0 : index
    %get3A_23 = vector.load %arg6[%get3A_21, %get3A_22] : memref<2x768xf32, #tpu.memory_space<vmem>>, vector<2x768xf32>
    %broadcast_in_dim3A_24 = arith.constant 0.000000e+00 : f32
    %broadcast_in_dim3A_25 = vector.broadcast %broadcast_in_dim3A_24 : f32 to vector<16x1xf32>
    %slice3A = vector.extract_strided_slice %get3A_23 {offsets = [0, 0], sizes = [1, 768], strides = [1, 1]} : vector<2x768xf32> to vector<1x768xf32>
    %mul3A = vector.broadcast %slice3A : vector<1x768xf32> to vector<768x768xf32>
    %mul3A_26 = arith.mulf %get3A_20, %mul3A : vector<768x768xf32>
    %reduce_sum3A_27 = arith.constant dense<0.000000e+00> : vector<768xf32>
    %reduce_sum3A_28 = vector.multi_reduction <add>, %mul3A_26, %reduce_sum3A_27 [1] : vector<768x768xf32> to vector<768xf32>
    %slice3A_29 = vector.extract_strided_slice %get3A_23 {offsets = [1, 0], sizes = [1, 768], strides = [1, 1]} : vector<2x768xf32> to vector<1x768xf32>
    %mul3A_30 = vector.broadcast %slice3A_29 : vector<1x768xf32> to vector<768x768xf32>
    %mul3A_31 = arith.mulf %get3A_20, %mul3A_30 : vector<768x768xf32>
    %reduce_sum3A_32 = arith.constant dense<0.000000e+00> : vector<768xf32>
    %reduce_sum3A_33 = vector.multi_reduction <add>, %mul3A_31, %reduce_sum3A_32 [1] : vector<768x768xf32> to vector<768xf32>
    %broadcast_in_dim3A_34 = vector.shape_cast %reduce_sum3A_28 : vector<768xf32> to vector<1x768xf32>
    %mul3A_35 = vector.broadcast %broadcast_in_dim3A_34 : vector<1x768xf32> to vector<16x768xf32>
    %mul3A_36 = arith.mulf %get3A_13, %mul3A_35 : vector<16x768xf32>
    %reduce_sum3A_37 = arith.constant dense<0.000000e+00> : vector<16xf32>
    %reduce_sum3A_38 = vector.multi_reduction <add>, %mul3A_36, %reduce_sum3A_37 [1] : vector<16x768xf32> to vector<16xf32>
    %broadcast_in_dim3A_39 = vector.shape_cast %reduce_sum3A_38 : vector<16xf32> to vector<16x1xf32>
    %broadcast_in_dim3A_40 = vector.shape_cast %reduce_sum3A_33 : vector<768xf32> to vector<1x768xf32>
    %mul3A_41 = vector.broadcast %broadcast_in_dim3A_40 : vector<1x768xf32> to vector<16x768xf32>
    %mul3A_42 = arith.mulf %get3A_13, %mul3A_41 : vector<16x768xf32>
    %reduce_sum3A_43 = arith.constant dense<0.000000e+00> : vector<16xf32>
    %reduce_sum3A_44 = vector.multi_reduction <add>, %mul3A_42, %reduce_sum3A_43 [1] : vector<16x768xf32> to vector<16xf32>
    %broadcast_in_dim3A_45 = vector.shape_cast %reduce_sum3A_44 : vector<16xf32> to vector<16x1xf32>
    %broadcast_in_dim3A_46 = vector.shape_cast %reduce_sum3A_33 : vector<768xf32> to vector<1x1x768xf32>
    %mul3A_47 = vector.broadcast %broadcast_in_dim3A_46 : vector<1x1x768xf32> to vector<16x200x768xf32>
    %mul3A_48 = arith.mulf %get3A_17, %mul3A_47 : vector<16x200x768xf32>
    %reduce_sum3A_49 = arith.constant dense<0.000000e+00> : vector<16x200xf32>
    %reduce_sum3A_50 = vector.multi_reduction <add>, %mul3A_48, %reduce_sum3A_49 [2] : vector<16x200x768xf32> to vector<16x200xf32>
    %add3A = arith.addf %broadcast_in_dim3A_39, %broadcast_in_dim3A_45 : vector<16x1xf32>
    %gt3A_51 = arith.constant 0.000000e+00 : f32
    %gt3A_52 = vector.broadcast %gt3A_51 : f32 to vector<16x1xf32>
    %gt3A_53 = arith.cmpf ogt, %add3A, %gt3A_52 : vector<16x1xf32>
    %mul3A_54 = arith.constant 2.000000e-01 : f32
    %mul3A_55 = vector.broadcast %mul3A_54 : f32 to vector<16x1xf32>
    %mul3A_56 = arith.mulf %mul3A_55, %add3A : vector<16x1xf32>
    %select_n3A_57 = arith.select %gt3A_53, %add3A, %mul3A_56 : vector<16x1xi1>, vector<16x1xf32>
    %add3A_58 = vector.broadcast %broadcast_in_dim3A_39 : vector<16x1xf32> to vector<16x200xf32>
    %add3A_59 = arith.addf %add3A_58, %reduce_sum3A_50 : vector<16x200xf32>
    %gt3A_60 = arith.constant 0.000000e+00 : f32
    %gt3A_61 = vector.broadcast %gt3A_60 : f32 to vector<16x200xf32>
    %gt3A_62 = arith.cmpf ogt, %add3A_59, %gt3A_61 : vector<16x200xf32>
    %mul3A_63 = arith.constant 2.000000e-01 : f32
    %mul3A_64 = vector.broadcast %mul3A_63 : f32 to vector<16x200xf32>
    %mul3A_65 = arith.mulf %mul3A_64, %add3A_59 : vector<16x200xf32>
    %select_n3A_66 = arith.select %gt3A_62, %add3A_59, %mul3A_65 : vector<16x200xi1>, vector<16x200xf32>
    %gt3A_67 = arith.constant 0.000000e+00 : f32
    %gt3A_68 = vector.broadcast %gt3A_67 : f32 to vector<16x1xf32>
    %gt3A_69 = arith.cmpf ogt, %broadcast_in_dim3A_39, %gt3A_68 : vector<16x1xf32>
    %mul3A_70 = arith.constant 2.000000e-01 : f32
    %mul3A_71 = vector.broadcast %mul3A_70 : f32 to vector<16x1xf32>
    %mul3A_72 = arith.mulf %mul3A_71, %broadcast_in_dim3A_39 : vector<16x1xf32>
    %select_n3A_73 = arith.select %gt3A_69, %broadcast_in_dim3A_39, %mul3A_72 : vector<16x1xi1>, vector<16x1xf32>
    %jit3A_74 = arith.constant -1.000000e+30 : f32
    %broadcast_in_dim3A_75 = vector.broadcast %jit3A_74 : f32 to vector<16x200xf32>
    %select_n3A_76 = arith.select %gt3A_3, %select_n3A_66, %broadcast_in_dim3A_75 : vector<16x200xi1>, vector<16x200xf32>
    %reduce_max3A = arith.constant dense<0xFF800000> : vector<16xf32>
    %reduce_max3A_77 = vector.multi_reduction <maximumf>, %select_n3A_76, %reduce_max3A [1] : vector<16x200xf32> to vector<16xf32>
    %broadcast_in_dim3A_78 = vector.shape_cast %reduce_max3A_77 : vector<16xf32> to vector<16x1xf32>
    %max3A = arith.maximumf %broadcast_in_dim3A_78, %select_n3A_57 : vector<16x1xf32>
    %gt3A_79 = arith.constant 0.000000e+00 : f32
    %gt3A_80 = vector.broadcast %gt3A_79 : f32 to vector<16x1xf32>
    %gt3A_81 = arith.cmpf ogt, %broadcast_in_dim3A_25, %gt3A_80 : vector<16x1xf32>
    %jit3A_82 = arith.constant -1.000000e+30 : f32
    %broadcast_in_dim3A_83 = vector.broadcast %jit3A_82 : f32 to vector<16x1xf32>
    %select_n3A_84 = arith.select %gt3A_81, %select_n3A_73, %broadcast_in_dim3A_83 : vector<16x1xi1>, vector<16x1xf32>
    %max3A_85 = arith.maximumf %max3A, %select_n3A_84 : vector<16x1xf32>
    %sub3A_86 = arith.subf %select_n3A_57, %max3A_85 : vector<16x1xf32>
    %exp3A = math.exp %sub3A_86 : vector<16x1xf32>
    %sub3A_87 = vector.broadcast %max3A_85 : vector<16x1xf32> to vector<16x200xf32>
    %sub3A_88 = arith.subf %select_n3A_66, %sub3A_87 : vector<16x200xf32>
    %exp3A_89 = math.exp %sub3A_88 : vector<16x200xf32>
    %jit3A_90 = arith.constant 0.000000e+00 : f32
    %broadcast_in_dim3A_91 = vector.broadcast %jit3A_90 : f32 to vector<16x200xf32>
    %select_n3A_92 = arith.select %gt3A_3, %exp3A_89, %broadcast_in_dim3A_91 : vector<16x200xi1>, vector<16x200xf32>
    %reduce_sum3A_93 = arith.constant dense<0.000000e+00> : vector<16xf32>
    %reduce_sum3A_94 = vector.multi_reduction <add>, %select_n3A_92, %reduce_sum3A_93 [1] : vector<16x200xf32> to vector<16xf32>
    %broadcast_in_dim3A_95 = vector.shape_cast %reduce_sum3A_94 : vector<16xf32> to vector<16x1xf32>
    %add3A_96 = arith.addf %exp3A, %broadcast_in_dim3A_95 : vector<16x1xf32>
    %sub3A_97 = arith.subf %select_n3A_73, %max3A_85 : vector<16x1xf32>
    %exp3A_98 = math.exp %sub3A_97 : vector<16x1xf32>
    %mul3A_99 = arith.mulf %broadcast_in_dim3A_25, %exp3A_98 : vector<16x1xf32>
    %add3A_100 = arith.addf %add3A_96, %mul3A_99 : vector<16x1xf32>
    %mul3A_101 = vector.broadcast %exp3A : vector<16x1xf32> to vector<16x768xf32>
    %mul3A_102 = arith.mulf %mul3A_101, %get3A_13 : vector<16x768xf32>
    %broadcast_in_dim3A_103 = vector.shape_cast %select_n3A_92 : vector<16x200xf32> to vector<16x200x1xf32>
    %mul3A_104 = vector.broadcast %broadcast_in_dim3A_103 : vector<16x200x1xf32> to vector<16x200x768xf32>
    %mul3A_105 = arith.mulf %mul3A_104, %get3A_17 : vector<16x200x768xf32>
    %reduce_sum3A_106 = arith.constant dense<0.000000e+00> : vector<16x768xf32>
    %reduce_sum3A_107 = vector.multi_reduction <add>, %mul3A_105, %reduce_sum3A_106 [1] : vector<16x200x768xf32> to vector<16x768xf32>
    %add3A_108 = arith.addf %mul3A_102, %reduce_sum3A_107 : vector<16x768xf32>
    %div3A = vector.broadcast %add3A_100 : vector<16x1xf32> to vector<16x768xf32>
    %div3A_109 = arith.divf %add3A_108, %div3A : vector<16x768xf32>
    %mul3A_110 = arith.constant 5.000000e-01 : f32
    %mul3A_111 = vector.broadcast %mul3A_110 : f32 to vector<16x768xf32>
    %mul3A_112 = arith.mulf %mul3A_111, %get3A_13 : vector<16x768xf32>
    %dot_general3A = arith.constant dense<0.000000e+00> : vector<16x768xf32>
    %dot_general3A_113 = tpu.matmul %div3A_109, %get3A_20, %dot_general3A {dimension_numbers = #tpu.dot_dimension_numbers<[1], [0], [0], [1], [0, 0, 1, 1], [], []>, transpose_lhs_hint = false} : vector<16x768xf32>, vector<768x768xf32>, vector<16x768xf32> -> vector<16x768xf32>
    %mul3A_114 = arith.constant 5.000000e-01 : f32
    %mul3A_115 = vector.broadcast %mul3A_114 : f32 to vector<16x768xf32>
    %mul3A_116 = arith.mulf %mul3A_115, %dot_general3A_113 : vector<16x768xf32>
    %add3A_117 = arith.addf %mul3A_112, %mul3A_116 : vector<16x768xf32>
    %get3A_118 = arith.constant 0 : index
    %get3A_119 = arith.constant 0 : index
    %get3A_120 = vector.load %arg1[%get3A_118, %get3A_119] : memref<16x768xf32, #tpu.memory_space<vmem>>, vector<16x768xf32>
    %get3A_121 = arith.constant 0 : index
    %get3A_122 = arith.constant 0 : index
    %get3A_123 = arith.constant 0 : index
    %get3A_124 = vector.load %arg3[%get3A_121, %get3A_122, %get3A_123] : memref<16x200x768xf32, #tpu.memory_space<vmem>>, vector<16x200x768xf32>
    %get3A_125 = arith.constant 0 : index
    %get3A_126 = arith.constant 0 : index
    %get3A_127 = vector.load %arg7[%get3A_125, %get3A_126] : memref<768x768xf32, #tpu.memory_space<vmem>>, vector<768x768xf32>
    %get3A_128 = arith.constant 0 : index
    %get3A_129 = arith.constant 0 : index
    %get3A_130 = vector.load %arg8[%get3A_128, %get3A_129] : memref<2x768xf32, #tpu.memory_space<vmem>>, vector<2x768xf32>
    %slice3A_131 = vector.extract_strided_slice %get3A_130 {offsets = [0, 0], sizes = [1, 768], strides = [1, 1]} : vector<2x768xf32> to vector<1x768xf32>
    %mul3A_132 = vector.broadcast %slice3A_131 : vector<1x768xf32> to vector<768x768xf32>
    %mul3A_133 = arith.mulf %get3A_127, %mul3A_132 : vector<768x768xf32>
    %reduce_sum3A_134 = arith.constant dense<0.000000e+00> : vector<768xf32>
    %reduce_sum3A_135 = vector.multi_reduction <add>, %mul3A_133, %reduce_sum3A_134 [1] : vector<768x768xf32> to vector<768xf32>
    %slice3A_136 = vector.extract_strided_slice %get3A_130 {offsets = [1, 0], sizes = [1, 768], strides = [1, 1]} : vector<2x768xf32> to vector<1x768xf32>
    %mul3A_137 = vector.broadcast %slice3A_136 : vector<1x768xf32> to vector<768x768xf32>
    %mul3A_138 = arith.mulf %get3A_127, %mul3A_137 : vector<768x768xf32>
    %reduce_sum3A_139 = arith.constant dense<0.000000e+00> : vector<768xf32>
    %reduce_sum3A_140 = vector.multi_reduction <add>, %mul3A_138, %reduce_sum3A_139 [1] : vector<768x768xf32> to vector<768xf32>
    %broadcast_in_dim3A_141 = vector.shape_cast %reduce_sum3A_135 : vector<768xf32> to vector<1x768xf32>
    %mul3A_142 = vector.broadcast %broadcast_in_dim3A_141 : vector<1x768xf32> to vector<16x768xf32>
    %mul3A_143 = arith.mulf %get3A_120, %mul3A_142 : vector<16x768xf32>
    %reduce_sum3A_144 = arith.constant dense<0.000000e+00> : vector<16xf32>
    %reduce_sum3A_145 = vector.multi_reduction <add>, %mul3A_143, %reduce_sum3A_144 [1] : vector<16x768xf32> to vector<16xf32>
    %broadcast_in_dim3A_146 = vector.shape_cast %reduce_sum3A_145 : vector<16xf32> to vector<16x1xf32>
    %broadcast_in_dim3A_147 = vector.shape_cast %reduce_sum3A_140 : vector<768xf32> to vector<1x768xf32>
    %mul3A_148 = vector.broadcast %broadcast_in_dim3A_147 : vector<1x768xf32> to vector<16x768xf32>
    %mul3A_149 = arith.mulf %get3A_120, %mul3A_148 : vector<16x768xf32>
    %reduce_sum3A_150 = arith.constant dense<0.000000e+00> : vector<16xf32>
    %reduce_sum3A_151 = vector.multi_reduction <add>, %mul3A_149, %reduce_sum3A_150 [1] : vector<16x768xf32> to vector<16xf32>
    %broadcast_in_dim3A_152 = vector.shape_cast %reduce_sum3A_151 : vector<16xf32> to vector<16x1xf32>
    %broadcast_in_dim3A_153 = vector.shape_cast %reduce_sum3A_140 : vector<768xf32> to vector<1x1x768xf32>
    %mul3A_154 = vector.broadcast %broadcast_in_dim3A_153 : vector<1x1x768xf32> to vector<16x200x768xf32>
    %mul3A_155 = arith.mulf %get3A_124, %mul3A_154 : vector<16x200x768xf32>
    %reduce_sum3A_156 = arith.constant dense<0.000000e+00> : vector<16x200xf32>
    %reduce_sum3A_157 = vector.multi_reduction <add>, %mul3A_155, %reduce_sum3A_156 [2] : vector<16x200x768xf32> to vector<16x200xf32>
    %add3A_158 = arith.addf %broadcast_in_dim3A_146, %broadcast_in_dim3A_152 : vector<16x1xf32>
    %gt3A_159 = arith.constant 0.000000e+00 : f32
    %gt3A_160 = vector.broadcast %gt3A_159 : f32 to vector<16x1xf32>
    %gt3A_161 = arith.cmpf ogt, %add3A_158, %gt3A_160 : vector<16x1xf32>
    %mul3A_162 = arith.constant 2.000000e-01 : f32
    %mul3A_163 = vector.broadcast %mul3A_162 : f32 to vector<16x1xf32>
    %mul3A_164 = arith.mulf %mul3A_163, %add3A_158 : vector<16x1xf32>
    %select_n3A_165 = arith.select %gt3A_161, %add3A_158, %mul3A_164 : vector<16x1xi1>, vector<16x1xf32>
    %add3A_166 = vector.broadcast %broadcast_in_dim3A_146 : vector<16x1xf32> to vector<16x200xf32>
    %add3A_167 = arith.addf %add3A_166, %reduce_sum3A_157 : vector<16x200xf32>
    %gt3A_168 = arith.constant 0.000000e+00 : f32
    %gt3A_169 = vector.broadcast %gt3A_168 : f32 to vector<16x200xf32>
    %gt3A_170 = arith.cmpf ogt, %add3A_167, %gt3A_169 : vector<16x200xf32>
    %mul3A_171 = arith.constant 2.000000e-01 : f32
    %mul3A_172 = vector.broadcast %mul3A_171 : f32 to vector<16x200xf32>
    %mul3A_173 = arith.mulf %mul3A_172, %add3A_167 : vector<16x200xf32>
    %select_n3A_174 = arith.select %gt3A_170, %add3A_167, %mul3A_173 : vector<16x200xi1>, vector<16x200xf32>
    %gt3A_175 = arith.constant 0.000000e+00 : f32
    %gt3A_176 = vector.broadcast %gt3A_175 : f32 to vector<16x1xf32>
    %gt3A_177 = arith.cmpf ogt, %broadcast_in_dim3A_146, %gt3A_176 : vector<16x1xf32>
    %mul3A_178 = arith.constant 2.000000e-01 : f32
    %mul3A_179 = vector.broadcast %mul3A_178 : f32 to vector<16x1xf32>
    %mul3A_180 = arith.mulf %mul3A_179, %broadcast_in_dim3A_146 : vector<16x1xf32>
    %select_n3A_181 = arith.select %gt3A_177, %broadcast_in_dim3A_146, %mul3A_180 : vector<16x1xi1>, vector<16x1xf32>
    %jit3A_182 = arith.constant -1.000000e+30 : f32
    %broadcast_in_dim3A_183 = vector.broadcast %jit3A_182 : f32 to vector<16x200xf32>
    %select_n3A_184 = arith.select %gt3A_3, %select_n3A_174, %broadcast_in_dim3A_183 : vector<16x200xi1>, vector<16x200xf32>
    %reduce_max3A_185 = arith.constant dense<0xFF800000> : vector<16xf32>
    %reduce_max3A_186 = vector.multi_reduction <maximumf>, %select_n3A_184, %reduce_max3A_185 [1] : vector<16x200xf32> to vector<16xf32>
    %broadcast_in_dim3A_187 = vector.shape_cast %reduce_max3A_186 : vector<16xf32> to vector<16x1xf32>
    %max3A_188 = arith.maximumf %broadcast_in_dim3A_187, %select_n3A_165 : vector<16x1xf32>
    %gt3A_189 = arith.constant 0.000000e+00 : f32
    %gt3A_190 = vector.broadcast %gt3A_189 : f32 to vector<16x1xf32>
    %gt3A_191 = arith.cmpf ogt, %select_n3A, %gt3A_190 : vector<16x1xf32>
    %jit3A_192 = arith.constant -1.000000e+30 : f32
    %broadcast_in_dim3A_193 = vector.broadcast %jit3A_192 : f32 to vector<16x1xf32>
    %select_n3A_194 = arith.select %gt3A_191, %select_n3A_181, %broadcast_in_dim3A_193 : vector<16x1xi1>, vector<16x1xf32>
    %max3A_195 = arith.maximumf %max3A_188, %select_n3A_194 : vector<16x1xf32>
    %sub3A_196 = arith.subf %select_n3A_165, %max3A_195 : vector<16x1xf32>
    %exp3A_197 = math.exp %sub3A_196 : vector<16x1xf32>
    %sub3A_198 = vector.broadcast %max3A_195 : vector<16x1xf32> to vector<16x200xf32>
    %sub3A_199 = arith.subf %select_n3A_174, %sub3A_198 : vector<16x200xf32>
    %exp3A_200 = math.exp %sub3A_199 : vector<16x200xf32>
    %jit3A_201 = arith.constant 0.000000e+00 : f32
    %broadcast_in_dim3A_202 = vector.broadcast %jit3A_201 : f32 to vector<16x200xf32>
    %select_n3A_203 = arith.select %gt3A_3, %exp3A_200, %broadcast_in_dim3A_202 : vector<16x200xi1>, vector<16x200xf32>
    %reduce_sum3A_204 = arith.constant dense<0.000000e+00> : vector<16xf32>
    %reduce_sum3A_205 = vector.multi_reduction <add>, %select_n3A_203, %reduce_sum3A_204 [1] : vector<16x200xf32> to vector<16xf32>
    %broadcast_in_dim3A_206 = vector.shape_cast %reduce_sum3A_205 : vector<16xf32> to vector<16x1xf32>
    %add3A_207 = arith.addf %exp3A_197, %broadcast_in_dim3A_206 : vector<16x1xf32>
    %sub3A_208 = arith.subf %select_n3A_181, %max3A_195 : vector<16x1xf32>
    %exp3A_209 = math.exp %sub3A_208 : vector<16x1xf32>
    %mul3A_210 = arith.mulf %select_n3A, %exp3A_209 : vector<16x1xf32>
    %add3A_211 = arith.addf %add3A_207, %mul3A_210 : vector<16x1xf32>
    %mul3A_212 = vector.broadcast %exp3A_197 : vector<16x1xf32> to vector<16x768xf32>
    %mul3A_213 = arith.mulf %mul3A_212, %get3A_120 : vector<16x768xf32>
    %broadcast_in_dim3A_214 = vector.shape_cast %select_n3A_203 : vector<16x200xf32> to vector<16x200x1xf32>
    %mul3A_215 = vector.broadcast %broadcast_in_dim3A_214 : vector<16x200x1xf32> to vector<16x200x768xf32>
    %mul3A_216 = arith.mulf %mul3A_215, %get3A_124 : vector<16x200x768xf32>
    %reduce_sum3A_217 = arith.constant dense<0.000000e+00> : vector<16x768xf32>
    %reduce_sum3A_218 = vector.multi_reduction <add>, %mul3A_216, %reduce_sum3A_217 [1] : vector<16x200x768xf32> to vector<16x768xf32>
    %add3A_219 = arith.addf %mul3A_213, %reduce_sum3A_218 : vector<16x768xf32>
    %div3A_220 = vector.broadcast %add3A_211 : vector<16x1xf32> to vector<16x768xf32>
    %div3A_221 = arith.divf %add3A_219, %div3A_220 : vector<16x768xf32>
    %mul3A_222 = arith.constant 5.000000e-01 : f32
    %mul3A_223 = vector.broadcast %mul3A_222 : f32 to vector<16x768xf32>
    %mul3A_224 = arith.mulf %mul3A_223, %get3A_120 : vector<16x768xf32>
    %dot_general3A_225 = arith.constant dense<0.000000e+00> : vector<16x768xf32>
    %dot_general3A_226 = tpu.matmul %div3A_221, %get3A_127, %dot_general3A_225 {dimension_numbers = #tpu.dot_dimension_numbers<[1], [0], [0], [1], [0, 0, 1, 1], [], []>, transpose_lhs_hint = false} : vector<16x768xf32>, vector<768x768xf32>, vector<16x768xf32> -> vector<16x768xf32>
    %mul3A_227 = arith.constant 5.000000e-01 : f32
    %mul3A_228 = vector.broadcast %mul3A_227 : f32 to vector<16x768xf32>
    %mul3A_229 = arith.mulf %mul3A_228, %dot_general3A_226 : vector<16x768xf32>
    %add3A_230 = arith.addf %mul3A_224, %mul3A_229 : vector<16x768xf32>
    %concatenate3A = tpu.concatenate %add3A_117, %add3A_230 in 1 : vector<16x768xf32>, vector<16x768xf32> -> vector<16x1536xf32>
    %get3A_231 = arith.constant 0 : index
    %get3A_232 = arith.constant 0 : index
    %get3A_233 = vector.load %arg9[%get3A_231, %get3A_232] : memref<1536x2xf32, #tpu.memory_space<vmem>>, vector<1536x2xf32>
    %dot_general3A_234 = arith.constant dense<0.000000e+00> : vector<16x2xf32>
    %dot_general3A_235 = tpu.matmul %concatenate3A, %get3A_233, %dot_general3A_234 {dimension_numbers = #tpu.dot_dimension_numbers<[1], [0], [0], [1], [0, 0, 1, 1], [], []>, transpose_lhs_hint = false} : vector<16x1536xf32>, vector<1536x2xf32>, vector<16x2xf32> -> vector<16x2xf32>
    %get3A_236 = arith.constant 0 : index
    %get3A_237 = arith.constant 0 : index
    %get3A_238 = vector.load %arg10[%get3A_236, %get3A_237] : memref<1x2xf32, #tpu.memory_space<vmem>>, vector<1x2xf32>
    %add3A_239 = vector.broadcast %get3A_238 : vector<1x2xf32> to vector<16x2xf32>
    %add3A_240 = arith.addf %dot_general3A_235, %add3A_239 : vector<16x2xf32>
    %swap3A = arith.constant 0 : index
    %swap3A_241 = arith.constant 0 : index
    %swap3A_242 = vector.load %arg11[%swap3A, %swap3A_241] : memref<16x2xf32, #tpu.memory_space<vmem>>, vector<16x2xf32>
    tpu.vector_store %arg11[%swap3A, %swap3A_241], %add3A_240 {strides = array<i32>} : memref<16x2xf32, #tpu.memory_space<vmem>>, vector<16x2xf32>,
    return
  }
}

module attributes {stable_mosaic.version = 14 : i64} {
  func.func @_combine_body(%arg0: memref<16x2xf32, #tpu.memory_space<vmem>>, %arg1: memref<2x16x768xf32, #tpu.memory_space<vmem>>, %arg2: memref<768x2xf32, #tpu.memory_space<vmem>>, %arg3: memref<16x2xf32, #tpu.memory_space<vmem>>) attributes {dimension_semantics = [], scalar_prefetch = 0 : i64, scratch_operands = 0 : i64, tpu.core_type = #tpu.core_type<tc>} {
    %get3A = arith.constant 0 : index
    %get3A_0 = arith.constant 0 : index
    %get3A_1 = arith.constant 0 : index
    %get3A_2 = vector.load %arg1[%get3A, %get3A_0, %get3A_1] : memref<2x16x768xf32, #tpu.memory_space<vmem>>, vector<1x16x768xf32>
    %get3A_3 = vector.shape_cast %get3A_2 : vector<1x16x768xf32> to vector<16x768xf32>
    %get3A_4 = arith.constant 1 : index
    %get3A_5 = arith.constant 0 : index
    %get3A_6 = arith.constant 0 : index
    %get3A_7 = vector.load %arg1[%get3A_4, %get3A_5, %get3A_6] : memref<2x16x768xf32, #tpu.memory_space<vmem>>, vector<1x16x768xf32>
    %get3A_8 = vector.shape_cast %get3A_7 : vector<1x16x768xf32> to vector<16x768xf32>
    %add3A = arith.addf %get3A_3, %get3A_8 : vector<16x768xf32>
    %get3A_9 = arith.constant 0 : index
    %get3A_10 = arith.constant 0 : index
    %get3A_11 = vector.load %arg0[%get3A_9, %get3A_10] : memref<16x2xf32, #tpu.memory_space<vmem>>, vector<16x2xf32>
    %get3A_12 = arith.constant 0 : index
    %get3A_13 = arith.constant 0 : index
    %get3A_14 = vector.load %arg2[%get3A_12, %get3A_13] : memref<768x2xf32, #tpu.memory_space<vmem>>, vector<768x2xf32>
    %dot_general3A = arith.constant dense<0.000000e+00> : vector<16x2xf32>
    %dot_general3A_15 = tpu.matmul %add3A, %get3A_14, %dot_general3A {dimension_numbers = #tpu.dot_dimension_numbers<[1], [0], [0], [1], [0, 0, 1, 1], [], []>, transpose_lhs_hint = false} : vector<16x768xf32>, vector<768x2xf32>, vector<16x2xf32> -> vector<16x2xf32>
    %add3A_16 = arith.addf %get3A_11, %dot_general3A_15 : vector<16x2xf32>
    %swap3A = arith.constant 0 : index
    %swap3A_17 = arith.constant 0 : index
    %swap3A_18 = vector.load %arg3[%swap3A, %swap3A_17] : memref<16x2xf32, #tpu.memory_space<vmem>>, vector<16x2xf32>
    tpu.vector_store %arg3[%swap3A, %swap3A_17], %add3A_16 {strides = array<i32>} : memref<16x2xf32, #tpu.memory_space<vmem>>, vector<16x2xf32>,
    return
  }
}

</mosaic_0001>

<sc_bundles>
// kernel: kernel.5.cloned.1.call-start
scs
__scs_entry_jumppad:
0x0: {  	(pc) =	sbr.rel $0x88, $3  }
0x1: {  	(tag) =	ssettag $0x0;
	lr =	simm.s32 $0x1  }
0x2: {  	[smem:$0x3F94] =	sst lr;
	_ =	strace $0xD0000000  }
0x3: {  	_ = 	snop  }
0x4: {  	_ = 	snop  }
0x5: {  	_ = 	snop  }
0x6: {  	_ = 	snop  }
0x7: {  	_ = 	snop  }
__scs_overlays_trampoline_lowered:
0x8: {  	[smem:$0x3FA3] =	sst s0  }
0x9: {  	[smem:$0x3FA4] =	sst s1  }
0xa: {  	[smem:$0x3FA5] =	sst s2  }
0xb: {  	[smem:$0x3FA6] =	sst s3  }
0xc: {  	[smem:$0x3FA7] =	sst s4  }
0xd: {  	[smem:$0x3FA8] =	sst s5  }
0xe: {  	[smem:$0x3FA9] =	sst s6  }
0xf: {  	[smem:$0x3FAA] =	sst s7  }
0x10: {  	[smem:$0x3FAB] =	sst s8  }
0x11: {  	[smem:$0x3FAC] =	sst s9;
	s0 =	simm.s32 @!p0 $0x0  }
0x12: {  	s1 =	sld [smem:$0x3F92];
	s0 =	simm.s32 @p0 $0x1  }
0x13: {  	[smem:$0x3FAD] =	sst s0;
	s0 =	simm.s32 @!p1 $0x0  }
0x14: {  	s2 =	sld [smem:$0x3F91];
	s0 =	simm.s32 @p1 $0x1  }
0x15: {  	[smem:$0x3FAE] =	sst s0;
	s0 =	simm.s32 @!p2 $0x0  }
0x16: {  	s3 =	sld [smem:$0x3FDB];
	s0 =	simm.s32 @p2 $0x1  }
0x17: {  	s4 =	simm.s32 $0x1BF5;
	[smem:$0x3FB0] =	sst s0  }
0x18: {  	s0 =	sld [smem:$0x3F93];
	_ =	swait.ge [sflag:s4], $0x0  }
0x19: {  	s7 =	sld [smem:$0x3F94]  }
0x1a: {  	s8 =	sadd.s32 $0xFFFFE003, lr  }
0x1b: {  	s9 =	sadd.s32 $0xFFFFFEF7, lr;
	s5 =	simm.s32 $0xFFFFFFFF;
	p2 =	slt.u32 s8, $0xFFFFF086  }
0x1c: {  	p1 =	slt.u32 s9, $0xF7A;
	s5 =	simm.s32 @!p2 $0x0  }
0x1d: {  	s5 =	simm.s32 @p1 $0x1;
	p0 =	seq.s32 s7, s2  }
0x1e: {  	s7 =	smul.u32 @!p0 $0xF7A, s2;
	p2 =	seq.s32 @!p0 s5, $0x0  }
0x1f: {  	s9 =	smul.u32 $0xF7A, s1;
	s8 =	simm.s32 @!p0 $0x1BF5;
	p2 =	por !p2, p0  }
0x20: {  	[sflag:s8] =	ssyncset.s32 @!p0 $0xFFFFF086;
	s6 =	sadd.s32 @!p0 s3, s7;
	s7 =	simm.s32 @!p0 $0x108  }
0x21: {  	s3 =	sadd.s32 s3, s9;
	s6 =	sadd.s32 @!p0 $0x88, s6;
	s7 =	simm.s32 @p2 $0x1082  }
0x22: {  	[simem:s7], [sflag:s8] =	dma.local @!p0 [hbm:s6], $0xF7A  }
0x23: {  	s9 =	sor.u32 $0xD0000000, s2;
	s6 =	simm.s32 $0x108;
	_ =	swait.ge @!p0 [sflag:s8], $0x0  }
0x24: {  	s3 =	sadd.s32 $0x88, s3;
	s6 =	simm.s32 @!p1 $0x1082;
	[sflag:s4] =	ssyncset.s32 $0xFFFFF086  }
0x25: {  	[simem:s6], [sflag:s4] =	dma.local [hbm:s3], $0xF7A  }
0x26: {  	[smem:$0x3F94] =	sst s1;
	(tag) =	ssettag s2;
	_ =	strace s9  }
0x27: {  	s1 =	sld [smem:$0x3FA4]  }
0x28: {  	s2 =	sld [smem:$0x3FA5]  }
0x29: {  	s4 =	sld [smem:$0x3FA7]  }
0x2a: {  	p0 =	seq.s32 s5, $0x0;
	s5 =	sld [smem:$0x3FA8]  }
0x2b: {  	s6 =	sld [smem:$0x3FA9]  }
0x2c: {  	s7 =	sld [smem:$0x3FAA]  }
0x2d: {  	s3 =	simm.s32 $0x108;
	s8 =	sld [smem:$0x3FAB]  }
0x2e: {  	s3 =	simm.s32 @!p0 $0x1082;
	s9 =	sld [smem:$0x3FAC]  }
0x2f: {  	lr =	sadd.s32 s0, s3;
	s0 =	sld [smem:$0x3FA3]  }
0x30: {  	s3 =	sld [smem:$0x3FA6]  }
0x31: {  	[smem:$0x3FAF] =	sst s10  }
0x32: {  	s10 =	sld [smem:$0x3FAD];
	_ =	sdelay $0x3  }
0x33: {  	p0 =	seq.s32 s10, $0x1;
	s10 =	sld [smem:$0x3FAF];
	_ =	sdelay $0x3  }
0x34: {  	[smem:$0x3FAF] =	sst s10  }
0x35: {  	s10 =	sld [smem:$0x3FAE];
	_ =	sdelay $0x3  }
0x36: {  	p1 =	seq.s32 s10, $0x1;
	s10 =	sld [smem:$0x3FAF];
	_ =	sdelay $0x3  }
0x37: {  	[smem:$0x3FAF] =	sst s10  }
0x38: {  	s10 =	sld [smem:$0x3FB0]  }
0x39: {  	_ = 	snop;
	(pc) =	sbr.ind lr, $3  }
0x3a: {  	_ = 	snop  }
0x3b: {  	_ = 	snop  }
0x3c: {  	p2 =	seq.s32 s10, $0x1;
	s10 =	sld [smem:$0x3FAF]  }
0x3d: {  	_ =	shalt  }
0x3e: {  	_ =	shalt  }
0x3f: {  	_ =	shalt  }
0x40: {  	_ =	shalt  }
0x41: {  	_ =	shalt  }
0x42: {  	_ =	shalt  }
0x43: {  	_ =	shalt  }
0x44: {  	_ =	shalt  }
0x45: {  	_ =	shalt  }
0x46: {  	_ =	shalt  }
0x47: {  	_ =	shalt  }
0x48: {  	_ =	shalt  }
0x49: {  	_ =	shalt  }
0x4a: {  	_ =	shalt  }
0x4b: {  	_ =	shalt  }
0x4c: {  	_ =	shalt  }
0x4d: {  	_ =	shalt  }
0x4e: {  	_ =	shalt  }
0x4f: {  	_ =	shalt  }
0x50: {  	_ =	shalt  }
0x51: {  	_ =	shalt  }
0x52: {  	_ =	shalt  }
0x53: {  	_ =	shalt  }
0x54: {  	_ =	shalt  }
0x55: {  	_ =	shalt  }
0x56: {  	_ =	shalt  }
0x57: {  	_ =	shalt  }
0x58: {  	_ =	shalt  }
0x59: {  	_ =	shalt  }
0x5a: {  	_ =	shalt  }
0x5b: {  	_ =	shalt  }
0x5c: {  	_ =	shalt  }
0x5d: {  	_ =	shalt  }
0x5e: {  	_ =	shalt  }
0x5f: {  	_ =	shalt  }
0x60: {  	_ =	shalt  }
0x61: {  	_ =	shalt  }
0x62: {  	_ =	shalt  }
0x63: {  	_ =	shalt  }
0x64: {  	_ =	shalt  }
0x65: {  	_ =	shalt  }
0x66: {  	_ =	shalt  }
0x67: {  	_ =	shalt  }
0x68: {  	_ =	shalt  }
0x69: {  	_ =	shalt  }
0x6a: {  	_ =	shalt  }
0x6b: {  	_ =	shalt  }
0x6c: {  	_ =	shalt  }
0x6d: {  	_ =	shalt  }
0x6e: {  	_ =	shalt  }
0x6f: {  	_ =	shalt  }
0x70: {  	_ =	shalt  }
0x71: {  	_ =	shalt  }
0x72: {  	_ =	shalt  }
0x73: {  	_ =	shalt  }
0x74: {  	_ =	shalt  }
0x75: {  	_ =	shalt  }
0x76: {  	_ =	shalt  }
0x77: {  	_ =	shalt  }
0x78: {  	_ =	shalt  }
0x79: {  	_ =	shalt  }
0x7a: {  	_ =	shalt  }
0x7b: {  	_ =	shalt  }
0x7c: {  	_ =	shalt  }
0x7d: {  	_ =	shalt  }
0x7e: {  	_ =	shalt  }
0x7f: {  	_ =	shalt  }
0x80: {  	_ =	shalt  }
0x81: {  	_ =	shalt  }
0x82: {  	_ =	shalt  }
0x83: {  	_ =	shalt  }
0x84: {  	_ =	shalt  }
0x85: {  	_ =	shalt  }
0x86: {  	_ =	shalt  }
0x87: {  	_ =	shalt  }
.Lfunc_end0:
.L_simem_size_0:
called_computation_lowered:
.L_overlay_start_0:
0x88: {  	s2 =	sld [smem:$0x3FD9]  }
0x89: {  	s3 =	sld [smem:$0x3FFE];
	_ =	sdelay $0x1  }
0x8a: {  	s1 =	srdreg.scid  }
0x8b: {  	s0 =	sand.u32 $0x1, s1  }
0x8c: {  	s17 =	sshll.u32 s0, $0xA;
	s2 =	sadd.s32 s3, s2  }
0x8d: {  	s2 =	sadd.s32 s2, s17  }
0x8e: {  	[smem:$0x3FBB] =	sst s2  }
0x8f: {  	_ = 	snop  }
0x90: {  	s2 =	sld [smem:$0x3FBF];
	(tm) =	ssettm $0x1  }
0x91: {  	s18 =	sld [smem:$0x3FFB];
	_ =	sdelay $0x3  }
0x92: {  	_ =	strace s18  }
0x93: {  	s3 =	sld [smem:$0x3FFC];
	_ =	sdelay $0x3  }
0x94: {  	_ =	strace s3  }
0x95: {  	s3 =	sld [smem:$0x3FFD];
	_ =	sdelay $0x3  }
0x96: {  	_ =	strace s3  }
0x97: {  	_ =	strace $0x8FFFFFFF  }
0x98: {  	s19 =	sld [smem:$0x3FDB];
	_ =	sdelay $0x1  }
0x99: {  	s4 =	simm.s32 $_scs_section_size  }
0x9a: {  	s5 =	simm.s32 $_size__tile_overlayer_lowered;
	s6 =	simm.s32 $_tile_overlayer_lowered  }
0x9b: {  	s22 =	simm.s32 $0x1BFF;
	s21 =	sshll.u32 s6, $0x1;
	s3 =	sadd.s32 s4, s19  }
0x9c: {  	s7 =	simm.s32 $0x0;
	s20 =	sshll.u32 s5, $0x1;
	s5 =	sadd.s32 s21, s3  }
0x9d: {  	[timem:s7], [sflag:s22] =	dma.local [hbm:s5], s20  }
0x9e: {  	_ =	swait.ge [sflag:s22], s20  }
0x9f: {  	s4 =	ssub.s32 $0x0, s20;
	[sflag:s22] =	ssyncset.done $0x0  }
0xa0: {  	[sflag:s22] =	ssyncadd.s32 s4;
	_ =	sdelay $0x1  }
0xa1: {  	s23 =	simm.s32 $0x1B8B  }
0xa2: {  	_ =	swait.ge [sflag:s23], $0x1  }
0xa3: {  	[sflag:s23] =	ssyncset.done $0x0  }
0xa4: {  	s25 =	simm.s32 $0x1B8E;
	s24 =	sld [smem:$0x3FFE];
	[sflag:s23] =	ssyncadd.s32 $0xFFFFFFFF  }
0xa5: {  	s26 =	simm.s32 $execute0_lowered;
	[smem:$0x3FD2] =	sst s25  }
0xa6: {  	s5 =	sshll.u32 s26, $0x1;
	_ =	strace $0x80000046;
	[dreg:$0x1] =	wrdreg $0xFFFFFFFF  }
0xa7: {  	s28 =	simm.s32 $_size_execute0_lowered;
	s3 =	sadd.s32 s3, s5;
	[dreg:$0x0] =	wrdreg $0x0  }
0xa8: {  	s5 =	sshll.u32 s28, $0x1;
	[dreg:$0x2] =	wrdreg s3  }
0xa9: {  	[dreg:$0x3] =	wrdreg s5  }
0xaa: {  	[dreg:$0x4] =	wrdreg $0xC0  }
0xab: {  	_ =	task [dreg:s7], $0x5FFFF  }
0xac: {  	[dreg:$0x1] =	wrdreg $0xFFFFFFFF  }
0xad: {  	[dreg:$0x0] =	wrdreg $0x60  }
0xae: {  	[dreg:$0x2] =	wrdreg s24  }
0xaf: {  	[dreg:$0x3] =	wrdreg s2  }
0xb0: {  	[dreg:$0x4] =	wrdreg $0x9  }
0xb1: {  	_ =	task.clear_ibuf [dreg:s7], $0x5FFFF;
	_ =	strace $0x90000046  }
0xb2: {  	s29 =	simm.s32 $0x9;
	_ =	strace $0x80000048  }
0xb3: {  	_ =	swait.ge [sflag:s29], $0x1  }
0xb4: {  	[sflag:s29] =	ssyncadd.s32 $0xFFFFFFFF  }
0xb5: {  	_ =	strace $0x90000048  }
0xb6: {  	_ =	sfence  }
0xb7: {  	s30 =	sld [smem:$0x0];
	_ =	sdelay $0x2  }
0xb8: {  	s31 =	sshll.u32 s1, $0xD;
	s1 =	sshrl.u32 s1, $0x2  }
0xb9: {  	s3 =	sand.u32 $0x4000, s31;
	s1 =	sadd.s32 s1, s30  }
0xba: {  	s0 =	sor.u32 s3, s0;
	s1 =	sshll.u32 s1, $0x11  }
0xbb: {  	s0 =	sor.u32 s1, s0  }
0xbc: {  	s0 =	sadd.s32 $0x8F2B, s0  }
0xbd: {  	[sflag:s0] =	ssyncadd.remote.s32 $0x1  }
0xbe: {  	_ =	sfence.sel $0xFFFF  }
0xbf: {  	[dreg:$0x0] =	wrdreg $0xFFFFFFFF;
	(pc) =	sbr.abs _section_cstart, $3  }
0xc0: {  	[dreg:$0x1] =	wrdreg $0xFFFFFFFF  }
0xc1: {  	_ =	task.clear_ibuf [dreg:s7], $0x2FFFF;
	_ =	strace $0x9FFFFFFF  }
0xc2: {  	(tm) =	ssettm $0x7FFFFFFF  }
0xc3: {  	_ =	shalt  }
tec
execute0_lowered:
.L_overlay_start_1:
0x0: {  	(tag) =	ssettag $0x1  }
0x1: {  	s0 =	rddreg [dreg:$0x0];
	s1 =	srdreg.scid  }
0x2: {  	s7 =	stileid.u32;
	s2 =	rddreg [dreg:$0x1]  }
0x3: {  	s3 =	simm.s32 $0x0;
	s11 =	simm.s32 $0x2;
	s12 =	simm.s32 $0x15280  }
0x4: {  	s28 =	simm.s32 $0x10280;
	s29 =	simm.s32 $0x10A80;
	s30 =	simm.s32 $0x11280  }
0x5: {  	s31 =	simm.s32 $0x11A80;
	s13 =	simm.s32 $0x13280;
	s14 =	simm.s32 $0x13A80  }
0x6: {  	s15 =	simm.s32 $0x14280;
	s16 =	simm.s32 $0x14A80;
	s17 =	simm.s32 $0x1  }
0x7: {  	s18 =	simm.s32 $0x200;
	s19 =	simm.s32 $0x0;
	s1 =	sand.u32 $0x1, s1  }
0x8: {  	s4 =	smul.u32 $0xE0, s7;
	[smem:$0x7FF] =	sst s3;
	s8 =	sadd.s32 $0x2E00, s0  }
0x9: {  	s5 =	smul.u32 $0x70, s1;
	s6 =	sshll.u32 s1, $0x4;
	_ =	strace $0x80000047  }
0xa: {  	s26 =	ssub.s32 $0x2, s1;
	p0 =	seq.s32 s1, $0x0;
	s1 =	simm.s32 $0x12280  }
0xb: {  	s6 =	sor.u32 s7, s6;
	s10 =	sshrl.u32 s26, $0x1;
	s7 =	sadd.s32 $0x100, s2  }
0xc: {  	s5 =	sadd.s32 s5, s4;
	s6 =	smul.u32 $0x60, s6;
	s10 =	ssub.s32 s26, s10  }
0xd: {  	vm0 =	vmxor vm0, vm0;
	vm1 =	vmmov $0x1;
	v0 =	vlaneseq.u32;
	s4 =	sshrl.u32 s4, $0x3;
	s26 =	simm.s32 $0xFA80;
	s5 =	sshrl.u32 s5, $0x3  }
0xe: {  	v29 =	vimm.s32 $0xF;
	v30 =	vimm.s32 $0x1F;
	v1 =	vshrl.u32 v0, $0x3;
	s4 =	sadd.s32 s8, s4;
	s10 =	smax.u32 s10, $0x1;
	s9 =	sadd.s32 s5, s0  }
0xf: {  	v31 =	vand.u32 $0x7, v0;
	v33 =	vor.u32 $0x8, v0;
	vm0 =	vmneg @p0 vm0;
	s0 =	sadd.s32 s6, s0;
	s5 =	sadd.s32 s8, s5;
	s8 =	sadd.s32 $0x200, s2  }
0x10: {  	v32 =	vmul.u32 $0x8, v1;
	vm0 =	vmand vm0, vm1;
	vm1 =	vmmov $0xffff;
	s6 =	sadd.s32 $0x3000, s9;
	s9 =	sadd.s32 $0x3200, s0;
	s0 =	simm.s32 $0x12A80  }
.LBB2_1:
0x11: {  	[tilespmem:s3], [sflag:$0x2] =	stream.linear.gather [hbm4b:s4+s3], $0xE0, $0x38;
	[tilespmem:$0x15580] =	vst v63  }
0x12: {  	_ =	swait.ge [sflag:s11], $0xE0  }
0x13: {  	[sflag:s11] =	ssyncset.done $0x0  }
0x14: {  	[sflag:s11] =	ssyncadd.s32 $0xFFFFFF20  }
0x15: {  	v0 =	vld [tilespmem:$0x0];
	_ =	sdelay $0x1  }
0x16: {  	v1 =	vld [tilespmem:$0x10];
	_ =	sdelay $0x1  }
0x17: {  	v2 =	vld [tilespmem:$0x20]  }
0x18: {  	vm2 =	vlt.f32 v0, $5.000000000e-01  }
0x19: {  	v34 =	vld [tilespmem:$0x30];
	v0 =	vsel vm2, $0x0, v0  }
0x1a: {  	vm2 =	vlt.f32 v1, $5.000000000e-01;
	v35 =	vadd.f32 $0.0e+00, v0  }
0x1b: {  	v36 =	vld [tilespmem:$0x40];
	v1 =	vsel vm2, $0x0, v1  }
0x1c: {  	vm2 =	vlt.f32 v2, $5.000000000e-01;
	v35 =	vadd.f32 v1, v35  }
0x1d: {  	v37 =	vld [tilespmem:$0x50];
	v2 =	vsel vm2, $0x0, v2  }
0x1e: {  	vm2 =	vlt.f32 v34, $5.000000000e-01;
	v35 =	vadd.f32 v2, v35  }
0x1f: {  	v38 =	vld [tilespmem:$0x60];
	v34 =	vsel vm2, $0x0, v34  }
0x20: {  	vm2 =	vlt.f32 v36, $5.000000000e-01;
	v35 =	vadd.f32 v34, v35  }
0x21: {  	v39 =	vld [tilespmem:$0x70];
	v36 =	vsel vm2, $0x0, v36  }
0x22: {  	vm2 =	vlt.f32 v37, $5.000000000e-01;
	v35 =	vadd.f32 v36, v35  }
0x23: {  	v40 =	vld [tilespmem:$0x80];
	v37 =	vsel vm2, $0x0, v37  }
0x24: {  	vm2 =	vlt.f32 v38, $5.000000000e-01;
	v35 =	vadd.f32 v37, v35  }
0x25: {  	v41 =	vld [tilespmem:$0x90];
	v38 =	vsel vm2, $0x0, v38  }
0x26: {  	vm2 =	vlt.f32 v39, $5.000000000e-01;
	v35 =	vadd.f32 v38, v35  }
0x27: {  	v42 =	vld [tilespmem:$0xA0];
	v0 =	vmax.f32 v0, $0.0e+00;
	v39 =	vsel vm2, $0x0, v39  }
0x28: {  	v0 =	vmax.f32 v0, v1;
	vm2 =	vlt.f32 v40, $5.000000000e-01;
	v35 =	vadd.f32 v39, v35  }
0x29: {  	v43 =	vld [tilespmem:$0xB0];
	v0 =	vmax.f32 v0, v2;
	v40 =	vsel vm2, $0x0, v40  }
0x2a: {  	v0 =	vmax.f32 v0, v34;
	vm2 =	vlt.f32 v41, $5.000000000e-01;
	v1 =	vadd.f32 v40, v35  }
0x2b: {  	v19 =	vld [tilespmem:$0xC0];
	v0 =	vmax.f32 v0, v36;
	v2 =	vsel vm2, $0x0, v41  }
0x2c: {  	v0 =	vmax.f32 v0, v37;
	vm2 =	vlt.f32 v42, $5.000000000e-01;
	v1 =	vadd.f32 v2, v1  }
0x2d: {  	v21 =	vld [tilespmem:$0xD0];
	v0 =	vmax.f32 v0, v38;
	v20 =	vsel vm2, $0x0, v42  }
0x2e: {  	v0 =	vmax.f32 v0, v39;
	vm2 =	vlt.f32 v43, $5.000000000e-01;
	v1 =	vadd.f32 v20, v1  }
0x2f: {  	v0 =	vmax.f32 v0, v40;
	v22 =	vsel vm2, $0x0, v43  }
0x30: {  	v0 =	vmax.f32 v0, v2;
	vm2 =	vlt.f32 v19, $5.000000000e-01;
	v1 =	vadd.f32 v22, v1  }
0x31: {  	v3 =	vimm.s32 $0x2;
	v0 =	vmax.f32 v0, v20;
	v35 =	vsel vm2, $0x0, v19  }
0x32: {  	v0 =	vmax.f32 v0, v22;
	vm2 =	vlt.f32 v21, $5.000000000e-01;
	v1 =	vadd.f32 v35, v1  }
0x33: {  	v0 =	vmax.f32 v0, v35;
	v2 =	vsel vm2, $0x0, v21  }
0x34: {  	v0 =	vmax.f32 v0, v2;
	v1 =	vadd.f32 v2, v1  }
0x35: {  	[tilespmem:$0x15290] =	vst v0  }
0x36: {  	[tilespmem:$0x15280] =	vst v1  }
0x37: {  	v23 =	vld.idx.msk [tilespmem:v3+s12+$0x0], $0xffff;
	v3 =	vimm.s32 $0x11;
	_ =	sdelay $0x4  }
0x38: {  	v24 =	vld.idx.msk [tilespmem:v3+s12+$0x0], $0xffff;
	v3 =	vimm.s32 $0x3;
	_ =	sdelay $0x4  }
0x39: {  	v25 =	vld.idx.msk [tilespmem:v3+s12+$0x0], $0xffff;
	v3 =	vimm.s32 $0x12;
	_ =	sdelay $0x4  }
0x3a: {  	v26 =	vld.idx.msk [tilespmem:v3+s12+$0x0], $0xffff;
	v3 =	vimm.s32 $0x13;
	_ =	sdelay $0x4  }
0x3b: {  	v48 =	vld.idx.msk [tilespmem:v3+s12+$0x0], $0xffff;
	v3 =	vimm.s32 $0x5;
	_ =	sdelay $0x4  }
0x3c: {  	v49 =	vld.idx.msk [tilespmem:v3+s12+$0x0], $0xffff;
	v3 =	vimm.s32 $0x14;
	_ =	sdelay $0x4  }
0x3d: {  	v50 =	vld.idx.msk [tilespmem:v3+s12+$0x0], $0xffff;
	v3 =	vimm.s32 $0x6;
	_ =	sdelay $0x4  }
0x3e: {  	v51 =	vld.idx.msk [tilespmem:v3+s12+$0x0], $0xffff;
	v3 =	vimm.s32 $0x15;
	_ =	sdelay $0x4  }
0x3f: {  	v52 =	vld.idx.msk [tilespmem:v3+s12+$0x0], $0xffff;
	v3 =	vimm.s32 $0x16;
	_ =	sdelay $0x4  }
0x40: {  	v53 =	vld.idx.msk [tilespmem:v3+s12+$0x0], $0xffff;
	v3 =	vimm.s32 $0x8;
	_ =	sdelay $0x4  }
0x41: {  	v54 =	vld.idx.msk [tilespmem:v3+s12+$0x0], $0xffff;
	v3 =	vimm.s32 $0x17;
	_ =	sdelay $0x4  }
0x42: {  	v55 =	vld.idx.msk [tilespmem:v3+s12+$0x0], $0xffff;
	v3 =	vimm.s32 $0x9;
	_ =	sdelay $0x3  }
0x43: {  	v1 =	vimm.s32 $0x1  }
0x44: {  	v56 =	vld.idx.msk [tilespmem:v3+s12+$0x0], $0xffff;
	v3 =	vimm.s32 $0x18;
	_ =	sdelay $0x1  }
0x45: {  	v0 =	vld.msk [tilespmem:s12+$0x0], $0xffff;
	_ =	sdelay $0x1  }
0x46: {  	v1 =	vld.idx.msk [tilespmem:v1+s12+$0x0], $0xffff  }
0x47: {  	v57 =	vld.idx.msk [tilespmem:v3+s12+$0x0], $0xffff;
	v3 =	vimm.s32 $0x19;
	_ =	sdelay $0x1  }
0x48: {  	v0 =	vadd.f32 $0.0e+00, v0;
	_ =	sdelay $0x1  }
0x49: {  	v0 =	vadd.f32 v1, v0;
	v1 =	vimm.s32 $0x4  }
0x4a: {  	v44 =	vld.idx.msk [tilespmem:v3+s12+$0x0], $0xffff;
	v3 =	vimm.s32 $0xB;
	_ =	sdelay $0x3  }
0x4b: {  	v1 =	vld.idx.msk [tilespmem:v1+s12+$0x0], $0xffff  }
0x4c: {  	v0 =	vadd.f32 v23, v0;
	v58 =	vld.idx.msk [tilespmem:v3+s12+$0x0], $0xffff;
	v3 =	vimm.s32 $0x1A;
	_ =	sdelay $0x1  }
0x4d: {  	v0 =	vadd.f32 v25, v0;
	_ =	sdelay $0x1  }
0x4e: {  	v0 =	vadd.f32 v1, v0;
	v1 =	vimm.s32 $0x7  }
0x4f: {  	v45 =	vld.idx.msk [tilespmem:v3+s12+$0x0], $0xffff;
	v3 =	vimm.s32 $0xC;
	_ =	sdelay $0x3  }
0x50: {  	v1 =	vld.idx.msk [tilespmem:v1+s12+$0x0], $0xffff  }
0x51: {  	v0 =	vadd.f32 v49, v0;
	v59 =	vld.idx.msk [tilespmem:v3+s12+$0x0], $0xffff;
	v3 =	vimm.s32 $0x1B;
	_ =	sdelay $0x1  }
0x52: {  	v0 =	vadd.f32 v51, v0;
	_ =	sdelay $0x1  }
0x53: {  	v0 =	vadd.f32 v1, v0;
	v1 =	vimm.s32 $0xA  }
0x54: {  	v60 =	vld.idx.msk [tilespmem:v3+s12+$0x0], $0xffff;
	v3 =	vimm.s32 $0x1C  }
0x55: {  	v2 =	vimm.s32 $0x10;
	_ =	sdelay $0x2  }
0x56: {  	v1 =	vld.idx.msk [tilespmem:v1+s12+$0x0], $0xffff  }
0x57: {  	v0 =	vadd.f32 v54, v0;
	v61 =	vld.idx.msk [tilespmem:v3+s12+$0x0], $0xffff;
	v3 =	vimm.s32 $0xE  }
0x58: {  	v2 =	vld.idx.msk [tilespmem:v2+s12+$0x0], $0xffff  }
0x59: {  	v0 =	vadd.f32 v56, v0;
	_ =	sdelay $0x1  }
0x5a: {  	v0 =	vadd.f32 v1, v0;
	v1 =	vimm.s32 $0xD  }
0x5b: {  	v62 =	vld.idx.msk [tilespmem:v3+s12+$0x0], $0xffff;
	v3 =	vimm.s32 $0x1D  }
0x5c: {  	v2 =	vmax.f32 v2, $0.0e+00  }
0x5d: {  	v2 =	vmax.f32 v2, v24  }
0x5e: {  	v2 =	vmax.f32 v2, v26  }
0x5f: {  	v2 =	vmax.f32 v2, v48;
	v1 =	vld.idx.msk [tilespmem:v1+s12+$0x0], $0xffff  }
0x60: {  	v2 =	vmax.f32 v2, v50;
	v63 =	vld.idx.msk [tilespmem:v3+s12+$0x0], $0xffff;
	v3 =	vimm.s32 $0x1E  }
0x61: {  	v2 =	vmax.f32 v2, v52;
	v0 =	vadd.f32 v58, v0  }
0x62: {  	v2 =	vmax.f32 v2, v53  }
0x63: {  	v2 =	vmax.f32 v2, v55;
	v0 =	vadd.f32 v59, v0  }
0x64: {  	v6 =	vld.idx.msk [tilespmem:v29+s12+$0x0], $0xffff;
	v2 =	vmax.f32 v2, v57  }
0x65: {  	v2 =	vmax.f32 v2, v44;
	v0 =	vadd.f32 v1, v0;
	v7 =	vld.idx.msk [tilespmem:v3+s12+$0x0], $0xffff  }
0x66: {  	v2 =	vmax.f32 v2, v45;
	v1 =	vld.idx.msk [tilespmem:v30+s12+$0x0], $0xffff  }
0x67: {  	v2 =	vmax.f32 v2, v60;
	v0 =	vadd.f32 v62, v0  }
0x68: {  	v2 =	vmax.f32 v2, v61  }
0x69: {  	v0 =	vadd.f32 v6, v0;
	v2 =	vmax.f32 v2, v63  }
0x6a: {  	v2 =	vmax.f32 v2, v7  }
0x6b: {  	v0 =	vadd.f32 $9.999999970e-07, v0;
	v1 =	vmax.f32 v2, v1  }
0x6c: {  	vm2 =	veq.f32 v1, $0.0e+00  }
0x6d: {  	v0 =	vsel vm2, $0x3F800008, v0  }
0x6e: {  	(erf) = vrcp.f32 v0;
	_ =	sdelay $0x7  }
0x6f: {  	s20 =	simm.s32 $0x100  }
0x70: {  	[tilespmem:s20], [sflag:$0x2] =	stream.linear.gather [hbm4b:s5+s3], $0x70, $0x38;
	v0 =	vpop (erf);
	[tilespmem:$0x15580] =	vst v63  }
0x71: {  	_ =	swait.ge [sflag:s11], $0x70  }
0x72: {  	[sflag:s11] =	ssyncset.done $0x0  }
0x73: {  	[sflag:s11] =	ssyncadd.s32 $0xFFFFFF90  }
0x74: {  	v1 =	vld [tilespmem:$0x100];
	_ =	sdelay $0x2  }
0x75: {  	v2 =	vld [tilespmem:$0x110]  }
0x76: {  	v8 =	vld [tilespmem:$0x120]  }
0x77: {  	v9 =	vld [tilespmem:$0x130];
	vm3 =	vlt.f32 v1, $5.000000000e-01  }
0x78: {  	v10 =	vld [tilespmem:$0x140];
	v1 =	vsel vm3, $0x0, v1  }
0x79: {  	v11 =	vld [tilespmem:$0x150];
	v1 =	vmul.f32 v1, v0  }
0x7a: {  	vm2 =	vmand vm2, vm0;
	v12 =	vld [tilespmem:$0x160];
	vm3 =	vlt.f32 v2, $5.000000000e-01  }
0x7b: {  	v2 =	vsel vm3, $0x0, v2;
	v1 =	vsel vm2, v0, v1;
	vm2 =	vlt.f32 v8, $5.000000000e-01  }
0x7c: {  	v2 =	vmul.f32 v2, v0;
	v34 =	vsel vm2, $0x0, v8;
	vm2 =	vlt.f32 v9, $5.000000000e-01  }
0x7d: {  	[tilespmem:$0x200] =	vst v1;
	v1 =	vmul.f32 v34, v0;
	v13 =	vsel vm2, $0x0, v9;
	vm2 =	vlt.f32 v10, $5.000000000e-01  }
0x7e: {  	[tilespmem:$0x210] =	vst v2;
	v2 =	vmul.f32 v13, v0;
	v14 =	vsel vm2, $0x0, v10;
	vm2 =	vlt.f32 v11, $5.000000000e-01  }
0x7f: {  	[tilespmem:$0x220] =	vst v1;
	v1 =	vmul.f32 v14, v0;
	v15 =	vsel vm2, $0x0, v11;
	vm2 =	vlt.f32 v12, $5.000000000e-01  }
0x80: {  	[tilespmem:$0x230] =	vst v2;
	v2 =	vmul.f32 v15, v0;
	v16 =	vsel vm2, $0x0, v12  }
0x81: {  	[tilespmem:$0x240] =	vst v1;
	v0 =	vmul.f32 v16, v0  }
0x82: {  	[tilespmem:$0x250] =	vst v2  }
0x83: {  	s23 =	simm.s32 $0x180;
	[tilespmem:$0x260] =	vst v0  }
0x84: {  	[tilespmem:s23], [sflag:$0x2] =	stream.linear.gather [hbm4b:s6+s3], $0x70, $0x38;
	[tilespmem:$0x15580] =	vst v63  }
0x85: {  	_ =	swait.ge [sflag:s11], $0x70  }
0x86: {  	[sflag:s11] =	ssyncset.done $0x0  }
0x87: {  	[sflag:s11] =	ssyncadd.s32 $0xFFFFFF90  }
0x88: {  	v0 =	vld [tilespmem:$0x180];
	_ =	sdelay $0x4  }
0x89: {  	v1 =	vshrl.u32 v0, $0x3  }
0x8a: {  	v1 =	vmul.u32 $0x30, v1  }
0x8b: {  	v0 =	vand.u32 $0x7, v0  }
0x8c: {  	v0 =	vor.u32 v0, v1  }
0x8d: {  	v1 =	vperm.xlane v0, v31;
	_ =	sdelay $0x1  }
0x8e: {  	v1 =	vadd.s32 v32, v1;
	_ =	sdelay $0x3  }
0x8f: {  	s24 =	simm.s32 $0x280;
	v0 =	vperm.xlane v0, v33  }
0x90: {  	[tilespmem:s24], [sflag:$0x1] =	stream.indirect_vreg.gather [hbm4b:s2+s3], $0x80, v1, vm1, $0xb8;
	[tilespmem:$0x15580] =	vst v63  }
0x91: {  	s25 =	simm.s32 $0xA80;
	v0 =	vadd.s32 v32, v0  }
0x92: {  	[tilespmem:s25], [sflag:$0x1] =	stream.indirect_vreg.gather [hbm4b:s7+s3], $0x80, v1, vm1, $0xb8;
	[tilespmem:$0x15580] =	vst v63  }
0x93: {  	s21 =	simm.s32 $0x1280  }
0x94: {  	[tilespmem:s21], [sflag:$0x1] =	stream.indirect_vreg.gather [hbm4b:s8+s3], $0x80, v1, vm1, $0xb8;
	[tilespmem:$0x15580] =	vst v63  }
0x95: {  	s22 =	simm.s32 $0x1A80  }
0x96: {  	[tilespmem:s22], [sflag:$0x1] =	stream.indirect_vreg.gather [hbm4b:s2+s3], $0x80, v0, vm1, $0xb8;
	[tilespmem:$0x15580] =	vst v63  }
0x97: {  	s23 =	simm.s32 $0x2280  }
0x98: {  	[tilespmem:s23], [sflag:$0x1] =	stream.indirect_vreg.gather [hbm4b:s7+s3], $0x80, v0, vm1, $0xb8;
	[tilespmem:$0x15580] =	vst v63  }
0x99: {  	s24 =	simm.s32 $0x2A80  }
0x9a: {  	[tilespmem:s24], [sflag:$0x1] =	stream.indirect_vreg.gather [hbm4b:s8+s3], $0x80, v0, vm1, $0xb8;
	[tilespmem:$0x15580] =	vst v63  }
0x9b: {  	v0 =	vld [tilespmem:$0x190];
	_ =	sdelay $0x4  }
0x9c: {  	v1 =	vshrl.u32 v0, $0x3  }
0x9d: {  	v1 =	vmul.u32 $0x30, v1  }
0x9e: {  	v0 =	vand.u32 $0x7, v0  }
0x9f: {  	v0 =	vor.u32 v0, v1  }
0xa0: {  	v1 =	vperm.xlane v0, v31;
	_ =	sdelay $0x1  }
0xa1: {  	v1 =	vadd.s32 v32, v1;
	_ =	sdelay $0x3  }
0xa2: {  	s25 =	simm.s32 $0x3280;
	v0 =	vperm.xlane v0, v33  }
0xa3: {  	[tilespmem:s25], [sflag:$0x1] =	stream.indirect_vreg.gather [hbm4b:s2+s3], $0x80, v1, vm1, $0xb8;
	[tilespmem:$0x15580] =	vst v63  }
0xa4: {  	s21 =	simm.s32 $0x3A80;
	v0 =	vadd.s32 v32, v0  }
0xa5: {  	[tilespmem:s21], [sflag:$0x1] =	stream.indirect_vreg.gather [hbm4b:s7+s3], $0x80, v1, vm1, $0xb8;
	[tilespmem:$0x15580] =	vst v63  }
0xa6: {  	s22 =	simm.s32 $0x4280  }
0xa7: {  	[tilespmem:s22], [sflag:$0x1] =	stream.indirect_vreg.gather [hbm4b:s8+s3], $0x80, v1, vm1, $0xb8;
	[tilespmem:$0x15580] =	vst v63  }
0xa8: {  	s23 =	simm.s32 $0x4A80  }
0xa9: {  	[tilespmem:s23], [sflag:$0x1] =	stream.indirect_vreg.gather [hbm4b:s2+s3], $0x80, v0, vm1, $0xb8;
	[tilespmem:$0x15580] =	vst v63  }
0xaa: {  	s24 =	simm.s32 $0x5280  }
0xab: {  	[tilespmem:s24], [sflag:$0x1] =	stream.indirect_vreg.gather [hbm4b:s7+s3], $0x80, v0, vm1, $0xb8;
	[tilespmem:$0x15580] =	vst v63  }
0xac: {  	s25 =	simm.s32 $0x5A80  }
0xad: {  	[tilespmem:s25], [sflag:$0x1] =	stream.indirect_vreg.gather [hbm4b:s8+s3], $0x80, v0, vm1, $0xb8;
	[tilespmem:$0x15580] =	vst v63  }
0xae: {  	v0 =	vld [tilespmem:$0x1A0];
	_ =	sdelay $0x4  }
0xaf: {  	v1 =	vshrl.u32 v0, $0x3  }
0xb0: {  	v1 =	vmul.u32 $0x30, v1  }
0xb1: {  	v0 =	vand.u32 $0x7, v0  }
0xb2: {  	v0 =	vor.u32 v0, v1  }
0xb3: {  	v1 =	vperm.xlane v0, v31;
	_ =	sdelay $0x1  }
0xb4: {  	v1 =	vadd.s32 v32, v1;
	_ =	sdelay $0x3  }
0xb5: {  	s21 =	simm.s32 $0x6280;
	v0 =	vperm.xlane v0, v33  }
0xb6: {  	[tilespmem:s21], [sflag:$0x1] =	stream.indirect_vreg.gather [hbm4b:s2+s3], $0x80, v1, vm1, $0xb8;
	[tilespmem:$0x15580] =	vst v63  }
0xb7: {  	s22 =	simm.s32 $0x6A80;
	v0 =	vadd.s32 v32, v0  }
0xb8: {  	[tilespmem:s22], [sflag:$0x1] =	stream.indirect_vreg.gather [hbm4b:s7+s3], $0x80, v1, vm1, $0xb8;
	[tilespmem:$0x15580] =	vst v63  }
0xb9: {  	s23 =	simm.s32 $0x7280  }
0xba: {  	[tilespmem:s23], [sflag:$0x1] =	stream.indirect_vreg.gather [hbm4b:s8+s3], $0x80, v1, vm1, $0xb8;
	[tilespmem:$0x15580] =	vst v63  }
0xbb: {  	s24 =	simm.s32 $0x7A80  }
0xbc: {  	[tilespmem:s24], [sflag:$0x1] =	stream.indirect_vreg.gather [hbm4b:s2+s3], $0x80, v0, vm1, $0xb8;
	[tilespmem:$0x15580] =	vst v63  }
0xbd: {  	s25 =	simm.s32 $0x8280  }
0xbe: {  	[tilespmem:s25], [sflag:$0x1] =	stream.indirect_vreg.gather [hbm4b:s7+s3], $0x80, v0, vm1, $0xb8;
	[tilespmem:$0x15580] =	vst v63  }
0xbf: {  	s21 =	simm.s32 $0x8A80  }
0xc0: {  	[tilespmem:s21], [sflag:$0x1] =	stream.indirect_vreg.gather [hbm4b:s8+s3], $0x80, v0, vm1, $0xb8;
	[tilespmem:$0x15580] =	vst v63  }
0xc1: {  	v0 =	vld [tilespmem:$0x1B0];
	_ =	sdelay $0x4  }
0xc2: {  	v1 =	vshrl.u32 v0, $0x3  }
0xc3: {  	v1 =	vmul.u32 $0x30, v1  }
0xc4: {  	v0 =	vand.u32 $0x7, v0  }
0xc5: {  	v0 =	vor.u32 v0, v1  }
0xc6: {  	v1 =	vperm.xlane v0, v31;
	_ =	sdelay $0x1  }
0xc7: {  	v1 =	vadd.s32 v32, v1;
	_ =	sdelay $0x3  }
0xc8: {  	s22 =	simm.s32 $0x9280;
	v0 =	vperm.xlane v0, v33  }
0xc9: {  	[tilespmem:s22], [sflag:$0x1] =	stream.indirect_vreg.gather [hbm4b:s2+s3], $0x80, v1, vm1, $0xb8;
	[tilespmem:$0x15580] =	vst v63  }
0xca: {  	s23 =	simm.s32 $0x9A80;
	v0 =	vadd.s32 v32, v0  }
0xcb: {  	[tilespmem:s23], [sflag:$0x1] =	stream.indirect_vreg.gather [hbm4b:s7+s3], $0x80, v1, vm1, $0xb8;
	[tilespmem:$0x15580] =	vst v63  }
0xcc: {  	s24 =	simm.s32 $0xA280  }
0xcd: {  	[tilespmem:s24], [sflag:$0x1] =	stream.indirect_vreg.gather [hbm4b:s8+s3], $0x80, v1, vm1, $0xb8;
	[tilespmem:$0x15580] =	vst v63  }
0xce: {  	s25 =	simm.s32 $0xAA80  }
0xcf: {  	[tilespmem:s25], [sflag:$0x1] =	stream.indirect_vreg.gather [hbm4b:s2+s3], $0x80, v0, vm1, $0xb8;
	[tilespmem:$0x15580] =	vst v63  }
0xd0: {  	s21 =	simm.s32 $0xB280  }
0xd1: {  	[tilespmem:s21], [sflag:$0x1] =	stream.indirect_vreg.gather [hbm4b:s7+s3], $0x80, v0, vm1, $0xb8;
	[tilespmem:$0x15580] =	vst v63  }
0xd2: {  	s22 =	simm.s32 $0xBA80  }
0xd3: {  	[tilespmem:s22], [sflag:$0x1] =	stream.indirect_vreg.gather [hbm4b:s8+s3], $0x80, v0, vm1, $0xb8;
	[tilespmem:$0x15580] =	vst v63  }
0xd4: {  	v0 =	vld [tilespmem:$0x1C0];
	_ =	sdelay $0x4  }
0xd5: {  	v1 =	vshrl.u32 v0, $0x3  }
0xd6: {  	v1 =	vmul.u32 $0x30, v1  }
0xd7: {  	v0 =	vand.u32 $0x7, v0  }
0xd8: {  	v0 =	vor.u32 v0, v1  }
0xd9: {  	v1 =	vperm.xlane v0, v31;
	_ =	sdelay $0x1  }
0xda: {  	v1 =	vadd.s32 v32, v1;
	_ =	sdelay $0x3  }
0xdb: {  	s23 =	simm.s32 $0xC280;
	v0 =	vperm.xlane v0, v33  }
0xdc: {  	[tilespmem:s23], [sflag:$0x1] =	stream.indirect_vreg.gather [hbm4b:s2+s3], $0x80, v1, vm1, $0xb8;
	[tilespmem:$0x15580] =	vst v63  }
0xdd: {  	s24 =	simm.s32 $0xCA80;
	v0 =	vadd.s32 v32, v0  }
0xde: {  	[tilespmem:s24], [sflag:$0x1] =	stream.indirect_vreg.gather [hbm4b:s7+s3], $0x80, v1, vm1, $0xb8;
	[tilespmem:$0x15580] =	vst v63  }
0xdf: {  	s25 =	simm.s32 $0xD280  }
0xe0: {  	[tilespmem:s25], [sflag:$0x1] =	stream.indirect_vreg.gather [hbm4b:s8+s3], $0x80, v1, vm1, $0xb8;
	[tilespmem:$0x15580] =	vst v63  }
0xe1: {  	s21 =	simm.s32 $0xDA80  }
0xe2: {  	[tilespmem:s21], [sflag:$0x1] =	stream.indirect_vreg.gather [hbm4b:s2+s3], $0x80, v0, vm1, $0xb8;
	[tilespmem:$0x15580] =	vst v63  }
0xe3: {  	s22 =	simm.s32 $0xE280  }
0xe4: {  	[tilespmem:s22], [sflag:$0x1] =	stream.indirect_vreg.gather [hbm4b:s7+s3], $0x80, v0, vm1, $0xb8;
	[tilespmem:$0x15580] =	vst v63  }
0xe5: {  	s23 =	simm.s32 $0xEA80  }
0xe6: {  	[tilespmem:s23], [sflag:$0x1] =	stream.indirect_vreg.gather [hbm4b:s8+s3], $0x80, v0, vm1, $0xb8;
	[tilespmem:$0x15580] =	vst v63  }
0xe7: {  	v0 =	vld [tilespmem:$0x1D0];
	_ =	sdelay $0x4  }
0xe8: {  	v1 =	vshrl.u32 v0, $0x3  }
0xe9: {  	v1 =	vmul.u32 $0x30, v1  }
0xea: {  	v0 =	vand.u32 $0x7, v0  }
0xeb: {  	v0 =	vor.u32 v0, v1  }
0xec: {  	v1 =	vperm.xlane v0, v31;
	_ =	sdelay $0x1  }
0xed: {  	v1 =	vadd.s32 v32, v1;
	_ =	sdelay $0x3  }
0xee: {  	s24 =	simm.s32 $0xF280;
	v0 =	vperm.xlane v0, v33  }
0xef: {  	[tilespmem:s24], [sflag:$0x1] =	stream.indirect_vreg.gather [hbm4b:s2+s3], $0x80, v1, vm1, $0xb8;
	[tilespmem:$0x15580] =	vst v63  }
0xf0: {  	v0 =	vadd.s32 v32, v0  }
0xf1: {  	[tilespmem:s26], [sflag:$0x1] =	stream.indirect_vreg.gather [hbm4b:s7+s3], $0x80, v1, vm1, $0xb8;
	[tilespmem:$0x15580] =	vst v63  }
0xf2: {  	_ = 	snop  }
0xf3: {  	[tilespmem:s28], [sflag:$0x1] =	stream.indirect_vreg.gather [hbm4b:s8+s3], $0x80, v1, vm1, $0xb8;
	[tilespmem:$0x15580] =	vst v63  }
0xf4: {  	_ = 	snop  }
0xf5: {  	[tilespmem:s29], [sflag:$0x1] =	stream.indirect_vreg.gather [hbm4b:s2+s3], $0x80, v0, vm1, $0xb8;
	[tilespmem:$0x15580] =	vst v63  }
0xf6: {  	_ = 	snop  }
0xf7: {  	[tilespmem:s30], [sflag:$0x1] =	stream.indirect_vreg.gather [hbm4b:s7+s3], $0x80, v0, vm1, $0xb8;
	[tilespmem:$0x15580] =	vst v63  }
0xf8: {  	_ = 	snop  }
0xf9: {  	[tilespmem:s31], [sflag:$0x1] =	stream.indirect_vreg.gather [hbm4b:s8+s3], $0x80, v0, vm1, $0xb8;
	[tilespmem:$0x15580] =	vst v63  }
0xfa: {  	v0 =	vld [tilespmem:$0x1E0];
	_ =	sdelay $0x4  }
0xfb: {  	v1 =	vshrl.u32 v0, $0x3  }
0xfc: {  	v1 =	vmul.u32 $0x30, v1  }
0xfd: {  	v0 =	vand.u32 $0x7, v0  }
0xfe: {  	v0 =	vor.u32 v0, v1  }
0xff: {  	v1 =	vperm.xlane v0, v31;
	_ =	sdelay $0x1  }
0x100: {  	v1 =	vadd.s32 v32, v1;
	_ =	sdelay $0x3  }
0x101: {  	v0 =	vperm.xlane v0, v33  }
0x102: {  	[tilespmem:s1], [sflag:$0x1] =	stream.indirect_vreg.gather [hbm4b:s2+s3], $0x80, v1, vm1, $0xb8;
	[tilespmem:$0x15580] =	vst v63  }
0x103: {  	v0 =	vadd.s32 v32, v0  }
0x104: {  	[tilespmem:s0], [sflag:$0x1] =	stream.indirect_vreg.gather [hbm4b:s7+s3], $0x80, v1, vm1, $0xb8;
	[tilespmem:$0x15580] =	vst v63  }
0x105: {  	_ = 	snop  }
0x106: {  	[tilespmem:s13], [sflag:$0x1] =	stream.indirect_vreg.gather [hbm4b:s8+s3], $0x80, v1, vm1, $0xb8;
	[tilespmem:$0x15580] =	vst v63  }
0x107: {  	_ = 	snop  }
0x108: {  	[tilespmem:s14], [sflag:$0x1] =	stream.indirect_vreg.gather [hbm4b:s2+s3], $0x80, v0, vm1, $0xb8;
	[tilespmem:$0x15580] =	vst v63  }
0x109: {  	s25 =	simm.s32 $0x0  }
0x10a: {  	[tilespmem:s15], [sflag:$0x1] =	stream.indirect_vreg.gather [hbm4b:s7+s3], $0x80, v0, vm1, $0xb8;
	[tilespmem:$0x15580] =	vst v63  }
0x10b: {  	s20 =	smul.u32 $0x6000, s25  }
0x10c: {  	[tilespmem:s16], [sflag:$0x1] =	stream.indirect_vreg.gather [hbm4b:s8+s3], $0x80, v0, vm1, $0xb8;
	[tilespmem:$0x15580] =	vst v63  }
0x10d: {  	_ =	swait.ge [sflag:s17], $0x15000  }
0x10e: {  	s21 =	sand.u32 $0x380, s3;
	s20 =	sshra.s32 s20, $0x2;
	[sflag:s17] =	ssyncset.done $0x0  }
0x10f: {  	s20 =	sor.u32 s21, s20;
	v0 =	vmov s3;
	[sflag:s17] =	ssyncadd.s32 $0xFFFEB000  }
0x110: {  	v1 =	vld [tilespmem:s20+$0x280]  }
0x111: {  	v2 =	vld [tilespmem:s20+$0x290]  }
0x112: {  	v17 =	vld [tilespmem:s20+$0x2A0]  }
0x113: {  	v18 =	vld [tilespmem:s20+$0x2B0]  }
0x114: {  	v35 =	vld.idx.msk [tilespmem:v0+s18+$0x0], $0xffff  }
0x115: {  	v0 =	vld [tilespmem:s20+$0xAF0]  }
0x116: {  	v22 =	vld [tilespmem:s20+$0x2F0]  }
0x117: {  	v24 =	vld [tilespmem:s20+$0x690]  }
0x118: {  	v36 =	vimm.f32 $0.0e+00;
	v19 =	vld [tilespmem:s20+$0x2C0]  }
0x119: {  	v43 =	vimm.f32 $0.0e+00;
	v37 =	vimm.f32 $0.0e+00;
	v38 =	vimm.f32 $0.0e+00;
	v20 =	vld [tilespmem:s20+$0x2D0]  }
0x11a: {  	v39 =	vimm.f32 $0.0e+00;
	v21 =	vld [tilespmem:s20+$0x2E0];
	v0 =	vmul.f32 v0, v35;
	v1 =	vmul.f32 v1, v35  }
0x11b: {  	v51 =	vimm.f32 $0.0e+00;
	v23 =	vld [tilespmem:s20+$0x680];
	v2 =	vmul.f32 v2, v35;
	v25 =	vmul.f32 v18, v35  }
0x11c: {  	v45 =	vimm.f32 $0.0e+00;
	v26 =	vld [tilespmem:s20+$0x6A0];
	v56 =	vmul.f32 v22, v35;
	v58 =	vmul.f32 v24, v35  }
0x11d: {  	v54 =	vld [tilespmem:s20+$0x6C0];
	v34 =	vadd.f32 v0, v45;
	v0 =	vmul.f32 v17, v35;
	v55 =	vadd.f32 v1, v45  }
0x11e: {  	v53 =	vadd.f32 v2, v45;
	v1 =	vmul.f32 v19, v35;
	v2 =	vld [tilespmem:s20+$0x6B0];
	v50 =	vadd.f32 v25, v45  }
0x11f: {  	v57 =	vld [tilespmem:s20+$0x6D0];
	v46 =	vadd.f32 v56, v45;
	v52 =	vadd.f32 v0, v45;
	v0 =	vmul.f32 v20, v35  }
0x120: {  	v41 =	vadd.f32 v58, v45;
	v49 =	vadd.f32 v1, v45;
	v1 =	vmul.f32 v21, v35  }
0x121: {  	v63 =	vld [tilespmem:s20+$0x6E0];
	v58 =	vimm.f32 $0.0e+00;
	v48 =	vadd.f32 v0, v45;
	v0 =	vmul.f32 v23, v35  }
0x122: {  	s21 =	simm.s32 $0x1;
	v62 =	vld [tilespmem:s20+$0x6F0];
	v56 =	vimm.f32 $0.0e+00;
	v47 =	vadd.f32 v1, v45;
	v1 =	vmul.f32 v26, v35  }
0x123: {  	v61 =	vld [tilespmem:s20+$0xA80];
	v59 =	vmul.f32 v2, v35;
	v2 =	vmov s21;
	v44 =	vadd.f32 v0, v45  }
0x124: {  	v60 =	vld [tilespmem:s20+$0xA90];
	v40 =	vadd.f32 v1, v45;
	v0 =	vmul.f32 v54, v35;
	v1 =	vmul.f32 v57, v35  }
0x125: {  	s22 =	simm.s32 $0x0;
	s23 =	simm.s32 $0x2;
	v57 =	vimm.f32 $0.0e+00;
	v54 =	vimm.f32 $0.0e+00;
	v42 =	vadd.f32 v59, v45;
	v59 =	vld [tilespmem:s20+$0xAA0]  }
.LBB2_2:
0x126: {  	p0 =	sne.s32 s23, $0x6F;
	s24 =	sshrl.u32 s21, $0x3;
	v45 =	vadd.f32 v0, v45;
	v0 =	vmul.f32 v63, v35;
	v63 =	vld [tilespmem:s20+$0xAB0];
	s21 =	smov.u32 s23  }
0x127: {  	s24 =	smul.u32 $0x6000, s24;
	v58 =	vadd.f32 v1, v58;
	v1 =	vmul.f32 v62, v35;
	v62 =	vld [tilespmem:s20+$0xAC0]  }
0x128: {  	s22 =	sadd.s32 $0x80, s22;
	v57 =	vadd.f32 v0, v57;
	v0 =	vmul.f32 v61, v35;
	v61 =	vld [tilespmem:s20+$0xAD0]  }
0x129: {  	s25 =	sand.u32 $0x380, s22;
	s24 =	sshra.s32 s24, $0x2;
	v56 =	vadd.f32 v1, v56;
	v1 =	vmul.f32 v60, v35;
	v60 =	vld [tilespmem:s20+$0xAE0]  }
0x12a: {  	v2 =	vld.idx.msk [tilespmem:v2+s18+$0x0], $0xffff;
	s20 =	sor.u32 s25, s24;
	v54 =	vadd.f32 v0, v54;
	v0 =	vmul.f32 v59, v35  }
0x12b: {  	v59 =	vld [tilespmem:s20+$0xAF0];
	v51 =	vadd.f32 v1, v51;
	v1 =	vmul.f32 v63, v35  }
0x12c: {  	v63 =	vld [tilespmem:s20+$0x280];
	v43 =	vadd.f32 v0, v43;
	v0 =	vmul.f32 v62, v35  }
0x12d: {  	v62 =	vld [tilespmem:s20+$0x290];
	v39 =	vadd.f32 v1, v39;
	v1 =	vmul.f32 v61, v35  }
0x12e: {  	v61 =	vld [tilespmem:s20+$0x2A0];
	v38 =	vadd.f32 v0, v38;
	v0 =	vmul.f32 v60, v35  }
0x12f: {  	v60 =	vld [tilespmem:s20+$0x2B0];
	v37 =	vadd.f32 v1, v37  }
0x130: {  	v35 =	vmov v2;
	v1 =	vld [tilespmem:s20+$0x2C0];
	v59 =	vmul.f32 v59, v2;
	v36 =	vadd.f32 v0, v36  }
0x131: {  	v0 =	vmul.f32 v63, v35;
	v2 =	vld [tilespmem:s20+$0x2D0]  }
0x132: {  	v62 =	vmul.f32 v62, v35;
	v63 =	vld [tilespmem:s20+$0x2E0];
	v34 =	vadd.f32 v59, v34  }
0x133: {  	v55 =	vadd.f32 v0, v55;
	v0 =	vmul.f32 v61, v35;
	v59 =	vld [tilespmem:s20+$0x2F0]  }
0x134: {  	v53 =	vadd.f32 v62, v53;
	v60 =	vmul.f32 v60, v35;
	v61 =	vld [tilespmem:s20+$0x680]  }
0x135: {  	v52 =	vadd.f32 v0, v52;
	v0 =	vmul.f32 v1, v35;
	v1 =	vld [tilespmem:s20+$0x690]  }
0x136: {  	v50 =	vadd.f32 v60, v50;
	v2 =	vmul.f32 v2, v35;
	v60 =	vld [tilespmem:s20+$0x6A0]  }
0x137: {  	v49 =	vadd.f32 v0, v49;
	v0 =	vmul.f32 v63, v35;
	v3 =	vld [tilespmem:s20+$0x6B0]  }
0x138: {  	v48 =	vadd.f32 v2, v48;
	v2 =	vmul.f32 v59, v35;
	v59 =	vld [tilespmem:s20+$0x6C0]  }
0x139: {  	v47 =	vadd.f32 v0, v47;
	v0 =	vmul.f32 v61, v35;
	v4 =	vld [tilespmem:s20+$0x6D0]  }
.Ltmp0:
0x13a: {  	v46 =	vadd.f32 v2, v46;
	v1 =	vmul.f32 v1, v35;
	v63 =	vld [tilespmem:s20+$0x6E0];
	(pc) =	sbr.rel @p0 .LBB2_2-.Ltmp0, $4  }
0x13b: {  	v44 =	vadd.f32 v0, v44;
	v0 =	vmul.f32 v60, v35;
	v62 =	vld [tilespmem:s20+$0x6F0]  }
0x13c: {  	v41 =	vadd.f32 v1, v41;
	v1 =	vmul.f32 v3, v35;
	v61 =	vld [tilespmem:s20+$0xA80]  }
0x13d: {  	v40 =	vadd.f32 v0, v40;
	v0 =	vmul.f32 v59, v35;
	v60 =	vld [tilespmem:s20+$0xA90]  }
0x13e: {  	s23 =	sadd.s32 $0x1, s23;
	v2 =	vmov s21;
	v42 =	vadd.f32 v1, v42;
	v1 =	vmul.f32 v4, v35;
	v59 =	vld [tilespmem:s20+$0xAA0]  }
0x13f: {  	s21 =	sshrl.u32 s21, $0x3;
	v3 =	vld [tilespmem:s20+$0xAB0]  }
0x140: {  	v4 =	vld [tilespmem:s20+$0xAC0];
	s21 =	smul.u32 $0x6000, s21  }
0x141: {  	v5 =	vld [tilespmem:s20+$0xAD0];
	s22 =	sadd.s32 $0x80, s22  }
0x142: {  	v6 =	vld [tilespmem:s20+$0xAE0];
	s22 =	sand.u32 $0x380, s22;
	s21 =	sshra.s32 s21, $0x2  }
0x143: {  	v2 =	vld.idx.msk [tilespmem:v2+s18+$0x0], $0xffff;
	s23 =	sor.u32 s22, s21  }
0x144: {  	v7 =	vld [tilespmem:s23+$0xAF0]  }
0x145: {  	v8 =	vld [tilespmem:s23+$0x280]  }
0x146: {  	v9 =	vld [tilespmem:s23+$0x290]  }
0x147: {  	v10 =	vld [tilespmem:s23+$0x2A0]  }
0x148: {  	v11 =	vld [tilespmem:s23+$0x2B0]  }
0x149: {  	v12 =	vld [tilespmem:s23+$0x2C0]  }
0x14a: {  	v13 =	vld [tilespmem:s23+$0x2D0]  }
0x14b: {  	v14 =	vld [tilespmem:s23+$0x2E0]  }
0x14c: {  	v15 =	vld [tilespmem:s23+$0x2F0]  }
0x14d: {  	v16 =	vld [tilespmem:s23+$0x680]  }
0x14e: {  	v17 =	vld [tilespmem:s23+$0x690]  }
0x14f: {  	v18 =	vld [tilespmem:s23+$0x6A0]  }
0x150: {  	v19 =	vld [tilespmem:s23+$0x6B0]  }
0x151: {  	v20 =	vld [tilespmem:s23+$0x6C0]  }
0x152: {  	v21 =	vld [tilespmem:s23+$0x6D0]  }
0x153: {  	v22 =	vld [tilespmem:s23+$0x6E0]  }
0x154: {  	v23 =	vld [tilespmem:s23+$0x6F0]  }
0x155: {  	v24 =	vld [tilespmem:s23+$0xA80]  }
0x156: {  	v25 =	vld [tilespmem:s23+$0xA90]  }
0x157: {  	v26 =	vld [tilespmem:s23+$0xAA0];
	v8 =	vmul.f32 v8, v2  }
0x158: {  	v27 =	vld [tilespmem:s23+$0xAB0];
	v9 =	vmul.f32 v9, v2  }
0x159: {  	v28 =	vld [tilespmem:s23+$0xAC0];
	v10 =	vmul.f32 v10, v2;
	v8 =	vadd.f32 v8, v55  }
0x15a: {  	v0 =	vadd.f32 v0, v45;
	v45 =	vld [tilespmem:s23+$0xAE0];
	v11 =	vmul.f32 v11, v2;
	v9 =	vadd.f32 v9, v53  }
0x15b: {  	v1 =	vadd.f32 v1, v58;
	v58 =	vmul.f32 v13, v2;
	v55 =	vld [tilespmem:s23+$0xAD0];
	v10 =	vadd.f32 v10, v52;
	[tilespmem:$0x15280] =	vst v8  }
0x15c: {  	v4 =	vmul.f32 v4, v35;
	v52 =	vmul.f32 v12, v2;
	v11 =	vadd.f32 v11, v50;
	[tilespmem:$0x15290] =	vst v9  }
0x15d: {  	v53 =	vmul.f32 v63, v35;
	v63 =	vmul.f32 v14, v2;
	v12 =	vadd.f32 v58, v48;
	[tilespmem:$0x152A0] =	vst v10  }
0x15e: {  	v62 =	vmul.f32 v62, v35;
	v8 =	vadd.f32 v52, v49;
	[tilespmem:$0x152B0] =	vst v11;
	v49 =	vmul.f32 v15, v2  }
0x15f: {  	v4 =	vadd.f32 v4, v38;
	v50 =	vmul.f32 v16, v2;
	v13 =	vadd.f32 v63, v47;
	[tilespmem:$0x152D0] =	vst v12  }
0x160: {  	v9 =	vadd.f32 v53, v57;
	v53 =	vmul.f32 v17, v2;
	[tilespmem:$0x152C0] =	vst v8;
	v11 =	vadd.f32 v49, v46  }
0x161: {  	v10 =	vadd.f32 v62, v56;
	v57 =	vmul.f32 v18, v2;
	v8 =	vadd.f32 v50, v44;
	[tilespmem:$0x152E0] =	vst v13  }
0x162: {  	v56 =	vmul.f32 v60, v35;
	v60 =	vmul.f32 v20, v2;
	v14 =	vadd.f32 v53, v41;
	[tilespmem:$0x152F0] =	vst v11  }
0x163: {  	v62 =	vmul.f32 v21, v2;
	v63 =	vmul.f32 v22, v2;
	v15 =	vadd.f32 v57, v40;
	[tilespmem:$0x15300] =	vst v8  }
0x164: {  	v22 =	vmul.f32 v26, v2;
	v26 =	vmul.f32 v28, v2;
	v0 =	vadd.f32 v60, v0;
	[tilespmem:$0x15310] =	vst v14  }
0x165: {  	v58 =	vmul.f32 v19, v2;
	v52 =	vmul.f32 v61, v35;
	v1 =	vadd.f32 v62, v1;
	[tilespmem:$0x15320] =	vst v15  }
0x166: {  	v3 =	vmul.f32 v3, v35;
	v19 =	vmul.f32 v24, v2;
	v4 =	vadd.f32 v26, v4;
	[tilespmem:$0x15340] =	vst v0  }
0x167: {  	v18 =	vmul.f32 v23, v2;
	v12 =	vadd.f32 v52, v54;
	v11 =	vadd.f32 v58, v42;
	[tilespmem:$0x15350] =	vst v1  }
0x168: {  	v61 =	vmul.f32 v59, v35;
	v13 =	vadd.f32 v56, v51;
	v8 =	vadd.f32 v63, v9;
	[tilespmem:$0x153C0] =	vst v4  }
0x169: {  	v20 =	vmul.f32 v25, v2;
	v0 =	vadd.f32 v3, v39;
	v3 =	vadd.f32 v18, v10;
	[tilespmem:$0x15330] =	vst v11  }
0x16a: {  	v24 =	vmul.f32 v27, v2;
	v1 =	vmul.f32 v5, v35;
	v21 =	vadd.f32 v19, v12;
	[tilespmem:$0x15360] =	vst v8  }
0x16b: {  	v14 =	vadd.f32 v61, v43;
	v23 =	vadd.f32 v20, v13;
	[tilespmem:$0x15370] =	vst v3;
	v3 =	vmul.f32 v6, v35  }
0x16c: {  	[tilespmem:$0x15380] =	vst v21;
	v1 =	vadd.f32 v1, v37;
	v0 =	vadd.f32 v24, v0;
	v35 =	vmul.f32 v55, v2  }
0x16d: {  	s20 =	simm.s32 $0x0;
	v25 =	vadd.f32 v22, v14;
	[tilespmem:$0x15390] =	vst v23;
	v37 =	vmul.f32 v45, v2;
	v2 =	vmul.f32 v7, v2  }
0x16e: {  	v3 =	vadd.f32 v3, v36;
	v1 =	vadd.f32 v35, v1;
	[tilespmem:$0x153B0] =	vst v0;
	v0 =	vmov s20  }
0x16f: {  	s24 =	simm.s32 $0x0;
	[tilespmem:$0x153A0] =	vst v25;
	v2 =	vadd.f32 v2, v34  }
0x170: {  	s21 =	smul.u32 $0x6000, s24;
	v3 =	vadd.f32 v37, v3;
	[tilespmem:$0x153D0] =	vst v1  }
0x171: {  	[tilespmem:$0x153F0] =	vst v2  }
0x172: {  	s25 =	sand.u32 $0x380, s20;
	s21 =	sshra.s32 s21, $0x2;
	[tilespmem:$0x153E0] =	vst v3  }
0x173: {  	s21 =	sor.u32 s25, s21;
	v35 =	vld.idx.msk [tilespmem:v0+s18+$0x0], $0xffff  }
0x174: {  	v0 =	vld [tilespmem:s21+$0x16F0]  }
0x175: {  	v1 =	vld [tilespmem:s21+$0xE80]  }
0x176: {  	v2 =	vld [tilespmem:s21+$0xE90]  }
0x177: {  	v3 =	vld [tilespmem:s21+$0xEA0]  }
0x178: {  	v4 =	vld [tilespmem:s21+$0xEB0]  }
0x179: {  	v40 =	vld [tilespmem:s21+$0xEF0]  }
0x17a: {  	v38 =	vld [tilespmem:s21+$0xEC0]  }
0x17b: {  	v54 =	vimm.f32 $0.0e+00;
	v6 =	vld [tilespmem:s21+$0xED0]  }
0x17c: {  	v51 =	vimm.f32 $0.0e+00;
	v45 =	vimm.f32 $0.0e+00;
	v42 =	vld [tilespmem:s21+$0x1290];
	v0 =	vmul.f32 v0, v35  }
0x17d: {  	v36 =	vimm.f32 $0.0e+00;
	v37 =	vimm.f32 $0.0e+00;
	v39 =	vld [tilespmem:s21+$0xEE0];
	v1 =	vmul.f32 v1, v35  }
0x17e: {  	v2 =	vmul.f32 v2, v35;
	v56 =	vmul.f32 v40, v35;
	v34 =	vadd.f32 v0, v45  }
0x17f: {  	v41 =	vld [tilespmem:s21+$0x1280];
	v0 =	vmul.f32 v3, v35;
	v3 =	vmul.f32 v4, v35;
	v55 =	vadd.f32 v1, v45  }
0x180: {  	v43 =	vld [tilespmem:s21+$0x12A0];
	v53 =	vadd.f32 v2, v45;
	v1 =	vmul.f32 v38, v35;
	v46 =	vadd.f32 v56, v45  }
0x181: {  	v58 =	vmul.f32 v42, v35;
	v2 =	vld [tilespmem:s21+$0x12B0];
	v52 =	vadd.f32 v0, v45;
	v50 =	vadd.f32 v3, v45  }
0x182: {  	v0 =	vmul.f32 v6, v35;
	v3 =	vld [tilespmem:s21+$0x12C0];
	v49 =	vadd.f32 v1, v45;
	v1 =	vmul.f32 v39, v35  }
0x183: {  	v57 =	vld [tilespmem:s21+$0x12D0];
	v56 =	vimm.f32 $0.0e+00;
	v38 =	vimm.f32 $0.0e+00;
	v39 =	vimm.f32 $0.0e+00  }
0x184: {  	v63 =	vld [tilespmem:s21+$0x12E0];
	v48 =	vadd.f32 v0, v45;
	v0 =	vmul.f32 v41, v35;
	v47 =	vadd.f32 v1, v45  }
0x185: {  	s22 =	simm.s32 $0x1;
	v62 =	vld [tilespmem:s21+$0x12F0];
	v1 =	vmul.f32 v43, v35;
	v41 =	vadd.f32 v58, v45;
	v58 =	vimm.f32 $0.0e+00  }
0x186: {  	v61 =	vld [tilespmem:s21+$0x1680];
	v43 =	vimm.f32 $0.0e+00;
	v59 =	vmul.f32 v2, v35;
	v2 =	vmov s22  }
0x187: {  	v60 =	vld [tilespmem:s21+$0x1690];
	v44 =	vadd.f32 v0, v45;
	v40 =	vadd.f32 v1, v45;
	v0 =	vmul.f32 v3, v35  }
0x188: {  	s23 =	simm.s32 $0x2;
	v1 =	vmul.f32 v57, v35;
	v57 =	vimm.f32 $0.0e+00;
	v42 =	vadd.f32 v59, v45;
	v59 =	vld [tilespmem:s21+$0x16A0]  }
.LBB2_4:
0x189: {  	p0 =	sne.s32 s23, $0x6F;
	s24 =	sshrl.u32 s22, $0x3;
	v45 =	vadd.f32 v0, v45;
	v0 =	vmul.f32 v63, v35;
	v3 =	vld [tilespmem:s21+$0x16B0];
	s22 =	smov.u32 s23  }
0x18a: {  	s24 =	smul.u32 $0x6000, s24;
	v58 =	vadd.f32 v1, v58;
	v1 =	vmul.f32 v62, v35;
	v4 =	vld [tilespmem:s21+$0x16C0]  }
0x18b: {  	s20 =	sadd.s32 $0x80, s20;
	v57 =	vadd.f32 v0, v57;
	v0 =	vmul.f32 v61, v35;
	v5 =	vld [tilespmem:s21+$0x16D0]  }
0x18c: {  	s25 =	sand.u32 $0x380, s20;
	s24 =	sshra.s32 s24, $0x2;
	v56 =	vadd.f32 v1, v56;
	v1 =	vmul.f32 v60, v35;
	v6 =	vld [tilespmem:s21+$0x16E0]  }
0x18d: {  	v2 =	vld.idx.msk [tilespmem:v2+s18+$0x0], $0xffff;
	s21 =	sor.u32 s25, s24;
	v54 =	vadd.f32 v0, v54;
	v0 =	vmul.f32 v59, v35  }
0x18e: {  	v7 =	vld [tilespmem:s21+$0x16F0];
	v51 =	vadd.f32 v1, v51;
	v1 =	vmul.f32 v3, v35  }
0x18f: {  	v3 =	vld [tilespmem:s21+$0xE80];
	v43 =	vadd.f32 v0, v43;
	v0 =	vmul.f32 v4, v35  }
0x190: {  	v4 =	vld [tilespmem:s21+$0xE90];
	v39 =	vadd.f32 v1, v39;
	v1 =	vmul.f32 v5, v35  }
0x191: {  	v5 =	vld [tilespmem:s21+$0xEA0];
	v38 =	vadd.f32 v0, v38;
	v0 =	vmul.f32 v6, v35  }
0x192: {  	v6 =	vld [tilespmem:s21+$0xEB0];
	v37 =	vadd.f32 v1, v37  }
0x193: {  	v35 =	vmov v2;
	v1 =	vld [tilespmem:s21+$0xEC0];
	v7 =	vmul.f32 v7, v2;
	v36 =	vadd.f32 v0, v36  }
0x194: {  	v0 =	vmul.f32 v3, v35;
	v2 =	vld [tilespmem:s21+$0xED0]  }
0x195: {  	v3 =	vmul.f32 v4, v35;
	v4 =	vld [tilespmem:s21+$0xEE0];
	v34 =	vadd.f32 v7, v34  }
0x196: {  	v55 =	vadd.f32 v0, v55;
	v0 =	vmul.f32 v5, v35;
	v5 =	vld [tilespmem:s21+$0xEF0]  }
0x197: {  	v53 =	vadd.f32 v3, v53;
	v3 =	vmul.f32 v6, v35;
	v6 =	vld [tilespmem:s21+$0x1280]  }
0x198: {  	v52 =	vadd.f32 v0, v52;
	v0 =	vmul.f32 v1, v35;
	v1 =	vld [tilespmem:s21+$0x1290]  }
0x199: {  	v50 =	vadd.f32 v3, v50;
	v2 =	vmul.f32 v2, v35;
	v3 =	vld [tilespmem:s21+$0x12A0]  }
0x19a: {  	v49 =	vadd.f32 v0, v49;
	v0 =	vmul.f32 v4, v35;
	v4 =	vld [tilespmem:s21+$0x12B0]  }
0x19b: {  	v48 =	vadd.f32 v2, v48;
	v2 =	vmul.f32 v5, v35;
	v5 =	vld [tilespmem:s21+$0x12C0]  }
0x19c: {  	v47 =	vadd.f32 v0, v47;
	v0 =	vmul.f32 v6, v35;
	v6 =	vld [tilespmem:s21+$0x12D0]  }
.Ltmp1:
0x19d: {  	v46 =	vadd.f32 v2, v46;
	v1 =	vmul.f32 v1, v35;
	v63 =	vld [tilespmem:s21+$0x12E0];
	(pc) =	sbr.rel @p0 .LBB2_4-.Ltmp1, $4  }
0x19e: {  	v44 =	vadd.f32 v0, v44;
	v0 =	vmul.f32 v3, v35;
	v62 =	vld [tilespmem:s21+$0x12F0]  }
0x19f: {  	v41 =	vadd.f32 v1, v41;
	v1 =	vmul.f32 v4, v35;
	v61 =	vld [tilespmem:s21+$0x1680]  }
0x1a0: {  	v40 =	vadd.f32 v0, v40;
	v0 =	vmul.f32 v5, v35;
	v60 =	vld [tilespmem:s21+$0x1690]  }
0x1a1: {  	s23 =	sadd.s32 $0x1, s23;
	v2 =	vmov s22;
	v42 =	vadd.f32 v1, v42;
	v1 =	vmul.f32 v6, v35;
	v59 =	vld [tilespmem:s21+$0x16A0]  }
0x1a2: {  	s22 =	sshrl.u32 s22, $0x3;
	v3 =	vld [tilespmem:s21+$0x16B0]  }
0x1a3: {  	v4 =	vld [tilespmem:s21+$0x16C0];
	s22 =	smul.u32 $0x6000, s22  }
0x1a4: {  	v5 =	vld [tilespmem:s21+$0x16D0];
	s20 =	sadd.s32 $0x80, s20  }
0x1a5: {  	v6 =	vld [tilespmem:s21+$0x16E0];
	s20 =	sand.u32 $0x380, s20;
	s22 =	sshra.s32 s22, $0x2  }
0x1a6: {  	v2 =	vld.idx.msk [tilespmem:v2+s18+$0x0], $0xffff;
	s20 =	sor.u32 s20, s22  }
0x1a7: {  	v7 =	vld [tilespmem:s20+$0x16F0]  }
0x1a8: {  	v8 =	vld [tilespmem:s20+$0xE80]  }
0x1a9: {  	v9 =	vld [tilespmem:s20+$0xE90]  }
0x1aa: {  	v10 =	vld [tilespmem:s20+$0xEA0]  }
0x1ab: {  	v11 =	vld [tilespmem:s20+$0xEB0]  }
0x1ac: {  	v12 =	vld [tilespmem:s20+$0xEC0]  }
0x1ad: {  	v13 =	vld [tilespmem:s20+$0xED0]  }
0x1ae: {  	v14 =	vld [tilespmem:s20+$0xEE0]  }
0x1af: {  	v15 =	vld [tilespmem:s20+$0xEF0]  }
0x1b0: {  	v16 =	vld [tilespmem:s20+$0x1280]  }
0x1b1: {  	v17 =	vld [tilespmem:s20+$0x1290]  }
0x1b2: {  	v18 =	vld [tilespmem:s20+$0x12A0]  }
0x1b3: {  	v19 =	vld [tilespmem:s20+$0x12B0]  }
0x1b4: {  	v20 =	vld [tilespmem:s20+$0x12C0]  }
0x1b5: {  	v21 =	vld [tilespmem:s20+$0x12D0]  }
0x1b6: {  	v22 =	vld [tilespmem:s20+$0x12E0]  }
0x1b7: {  	v23 =	vld [tilespmem:s20+$0x12F0]  }
0x1b8: {  	v24 =	vld [tilespmem:s20+$0x1680]  }
0x1b9: {  	v25 =	vld [tilespmem:s20+$0x1690]  }
0x1ba: {  	v26 =	vld [tilespmem:s20+$0x16A0];
	v8 =	vmul.f32 v8, v2  }
0x1bb: {  	v27 =	vld [tilespmem:s20+$0x16B0];
	v9 =	vmul.f32 v9, v2  }
0x1bc: {  	v0 =	vadd.f32 v0, v45;
	v28 =	vld [tilespmem:s20+$0x16C0];
	v10 =	vmul.f32 v10, v2;
	v8 =	vadd.f32 v8, v55  }
0x1bd: {  	v63 =	vmul.f32 v63, v35;
	v45 =	vld [tilespmem:s20+$0x16E0];
	v11 =	vmul.f32 v11, v2;
	v9 =	vadd.f32 v9, v53  }
0x1be: {  	v1 =	vadd.f32 v1, v58;
	v58 =	vmul.f32 v12, v2;
	v55 =	vld [tilespmem:s20+$0x16D0];
	v10 =	vadd.f32 v10, v52;
	[tilespmem:$0x15400] =	vst v8  }
0x1bf: {  	v61 =	vmul.f32 v61, v35;
	v11 =	vadd.f32 v11, v50;
	v50 =	vmul.f32 v13, v2;
	[tilespmem:$0x15410] =	vst v9  }
0x1c0: {  	v3 =	vmul.f32 v3, v35;
	v53 =	vmul.f32 v14, v2;
	v8 =	vadd.f32 v58, v49;
	[tilespmem:$0x15420] =	vst v10  }
0x1c1: {  	v52 =	vmul.f32 v62, v35;
	v62 =	vmul.f32 v17, v2;
	v12 =	vadd.f32 v50, v48;
	[tilespmem:$0x15430] =	vst v11  }
0x1c2: {  	v4 =	vmul.f32 v4, v35;
	v18 =	vmul.f32 v18, v2;
	v13 =	vadd.f32 v53, v47;
	[tilespmem:$0x15440] =	vst v8  }
0x1c3: {  	v9 =	vadd.f32 v63, v57;
	v57 =	vmul.f32 v15, v2;
	v14 =	vadd.f32 v62, v41;
	[tilespmem:$0x15450] =	vst v12  }
0x1c4: {  	v4 =	vadd.f32 v4, v38;
	v58 =	vmul.f32 v16, v2;
	v15 =	vadd.f32 v18, v40;
	[tilespmem:$0x15460] =	vst v13  }
0x1c5: {  	v19 =	vmul.f32 v19, v2;
	v41 =	vmul.f32 v20, v2;
	v11 =	vadd.f32 v57, v46;
	[tilespmem:$0x15490] =	vst v14  }
0x1c6: {  	v10 =	vadd.f32 v52, v56;
	v47 =	vmul.f32 v23, v2;
	v8 =	vadd.f32 v58, v44;
	[tilespmem:$0x154A0] =	vst v15  }
0x1c7: {  	v63 =	vmul.f32 v60, v35;
	v60 =	vmul.f32 v28, v2;
	v0 =	vadd.f32 v41, v0;
	[tilespmem:$0x15470] =	vst v11  }
0x1c8: {  	v48 =	vmul.f32 v24, v2;
	v49 =	vadd.f32 v3, v39;
	v50 =	vadd.f32 v47, v10;
	[tilespmem:$0x15480] =	vst v8  }
0x1c9: {  	v62 =	vmul.f32 v45, v2;
	v44 =	vmul.f32 v21, v2;
	v4 =	vadd.f32 v60, v4;
	[tilespmem:$0x154C0] =	vst v0  }
0x1ca: {  	v12 =	vadd.f32 v61, v54;
	v46 =	vmul.f32 v22, v2;
	v11 =	vadd.f32 v19, v42;
	[tilespmem:$0x154F0] =	vst v50  }
0x1cb: {  	v13 =	vadd.f32 v63, v51;
	v51 =	vmul.f32 v25, v2;
	v1 =	vadd.f32 v44, v1;
	[tilespmem:$0x15540] =	vst v4  }
0x1cc: {  	v54 =	vmul.f32 v26, v2;
	v57 =	vmul.f32 v27, v2;
	v8 =	vadd.f32 v46, v9;
	[tilespmem:$0x154B0] =	vst v11  }
0x1cd: {  	v58 =	vmul.f32 v6, v35;
	v61 =	vmul.f32 v55, v2;
	v53 =	vadd.f32 v48, v12;
	[tilespmem:$0x154D0] =	vst v1  }
0x1ce: {  	v2 =	vmul.f32 v7, v2;
	v42 =	vmul.f32 v59, v35;
	v56 =	vadd.f32 v51, v13;
	[tilespmem:$0x154E0] =	vst v8  }
0x1cf: {  	v52 =	vmul.f32 v5, v35;
	v0 =	vadd.f32 v57, v49;
	v3 =	vadd.f32 v58, v36;
	[tilespmem:$0x15500] =	vst v53  }
0x1d0: {  	v2 =	vadd.f32 v2, v34;
	v14 =	vadd.f32 v42, v43;
	[tilespmem:$0x15510] =	vst v56  }
0x1d1: {  	v1 =	vadd.f32 v52, v37;
	[tilespmem:$0x15530] =	vst v0;
	v63 =	vadd.f32 v62, v3  }
0x1d2: {  	[tilespmem:$0x15570] =	vst v2;
	v59 =	vadd.f32 v54, v14  }
0x1d3: {  	s19 =	sadd.s32 $0x1, s19;
	v1 =	vadd.f32 v61, v1;
	[tilespmem:$0x15560] =	vst v63  }
0x1d4: {  	p0 =	sne.s32 s19, s10;
	[tilespmem:$0x15520] =	vst v59  }
.Ltmp2:
0x1d5: {  	[tilespmem:$0x15550] =	vst v1;
	(pc) =	sbr.rel @p0 .LBB2_1-.Ltmp2, $4  }
0x1d6: {  	[hbm4b:s9+s3] =	stream.linear.scatter [tilespmem:s12], [sflag:$0x2], $0x300, $0x38;
	[tilespmem:$0x15580] =	vst v63  }
0x1d7: {  	_ =	swait.ge [sflag:s11], $0x300  }
0x1d8: {  	[sflag:s11] =	ssyncset.done $0x0  }
0x1d9: {  	[sflag:s11] =	ssyncadd.s32 $0xFFFFFD00  }
0x1da: {  	_ =	sfence.sel $0x180000  }
0x1db: {  	[bflag:$0x0] =	sbarrier.arrive $0xFFFF  }
0x1dc: {  	_ =	strace $0x90000047  }
0x1dd: {  	s0 =	stileid.u32;
	[bflag:$0x2] =	sbarrier.arrive $0xFFFF  }
0x1de: {  	p0 =	sne.s32 s0, $0x0;
	s0 =	rddreg [dreg:$0x2]  }
0x1df: {  	s0 =	sadd.s32 @!p0 $0x100000, s0  }
0x1e0: {  	[sflag:s0] =	ssyncadd.tile.s32 @!p0 $0x1;
	_ =	shalt  }
.Lfunc_end2:
_tile_overlayer_lowered:
.L_overlay_start_2:
0x1e1: {  	(tag) =	ssettag $0x2  }
0x1e2: {  	s0 =	rddreg [dreg:$0x0];
	s2 =	stileid.u32  }
0x1e3: {  	s1 =	rddreg [dreg:$0x1];
	p0 =	sne.s32 s2, $0x0  }
0x1e4: {  	s3 =	rddreg [dreg:$0x2];
	[bflag:$0x3] =	sbarrier.arrive $0xFFFF;
	s2 =	simm.s32 @!p0 $0x1C02  }
0x1e5: {  	[timem:s3], [sflag:s2] =	dma.local @!p0 [hbm:s0], s1  }
0x1e6: {  	s0 =	simm.s32 @!p0 $0x2  }
0x1e7: {  	_ =	swait.ge @!p0 [sflag:s0], s1  }
0x1e8: {  	s1 =	ssub.s32 @!p0 $0x0, s1;
	[sflag:s0] =	ssyncset.done @!p0 $0x0  }
0x1e9: {  	[sflag:s0] =	ssyncadd.s32 @!p0 s1  }
0x1ea: {  	[bflag:$0x3] =	sbarrier.arrive $0xFFFF  }
0x1eb: {  	_ =	shalt  }

</sc_bundles>
